<compile_context>
chip_gen: v7x
topology: tpu7x:2x2x1
jax: 0.10.2.dev20260603
libtpu: 0.0.44.dev20260713+nightly
codegen_flags: <defaults>
</compile_context>

<pallas_src>
import functools

import jax
import jax.numpy as jnp
from jax import lax
from jax.experimental import pallas as pl
from jax.experimental.pallas import tpu as pltpu
from jax.experimental.pallas import tpu_sc as plsc

_N = 10000
_E = 320000
_D = 128
_EPS = 1e-5
_BR = 1000



_K = 80
_NITER = 125


def _make_seg_sum():
    nc, ns = 2, 16
    k = _K
    niter = _NITER
    ch = 80
    ncht = _N // ch
    tpt = -(-ncht // ns)
    mesh = plsc.VectorSubcoreMesh(
        core_axis_name="c", subcore_axis_name="s",
        num_cores=nc, num_subcores=ns)

    @functools.partial(
        pl.kernel,
        mesh=mesh,
        out_type=jax.ShapeDtypeStruct((2 * _N, _D), jnp.float32),
        scratch_types=[
            pltpu.MemorySpace.VMEM_SHARED((_N, _D), jnp.float32),
            pltpu.MemorySpace.VMEM((niter * k,), jnp.int32),
            pltpu.MemorySpace.VMEM((niter, k), jnp.int32),
            [pltpu.MemorySpace.VMEM((k, _D), jnp.float32)] * 2,
            [pltpu.SemaphoreType.DMA] * 2,
            pltpu.SemaphoreType.DMA,
        ],
    )
    def seg_sum(h_hbm, src_hbm, dst_hbm, out_hbm, acc, sidx, didx, rows,
                gsem, isem):
        cid = lax.axis_index("c")
        sid = lax.axis_index("s")
        wid = sid * nc + cid

        cps = pltpu.async_copy(src_hbm.at[wid], sidx, isem)
        cpd = pltpu.async_copy(dst_hbm.at[wid], didx, isem)

        def init_body(t, _):
            cix = sid + t * ns

            @pl.when(cix < ncht)
            def _():
                r0 = cix * ch
                pltpu.sync_copy(h_hbm.at[pl.ds(r0, ch)],
                                rows[0].at[pl.ds(0, ch)])
                pltpu.sync_copy(rows[0].at[pl.ds(0, ch)],
                                acc.at[pl.ds(r0, ch)])
            return 0

        lax.fori_loop(0, tpt, init_body, 0)
        cps.wait()
        cpd.wait()
        plsc.subcore_barrier()

        def gather(j, b):
            return pltpu.async_copy(h_hbm.at[sidx.at[pl.ds(j * k, k)]],
                                    rows[b], gsem[b])

        gather(0, 0)
        gather(1, 1)

        def edge_body(g, _):
            j0 = 2 * g
            for b in range(2):
                pltpu.make_async_copy(h_hbm.at[sidx.at[pl.ds(0, k)]],
                                      rows[b], gsem[b]).wait()
                pltpu.sync_copy(rows[b], acc.at[didx.at[j0 + b]], add=True)
                gather(j0 + b + 2, b)
            return 0

        lax.fori_loop(0, (niter - 3) // 2, edge_body, 0)

        t0 = niter - 3
        for j in range(t0, niter):
            b = j % 2
            pltpu.make_async_copy(h_hbm.at[sidx.at[pl.ds(0, k)]],
                                  rows[b], gsem[b]).wait()
            pltpu.sync_copy(rows[b], acc.at[didx.at[j]], add=True)
            if j + 2 < niter:
                gather(j + 2, b)
        plsc.subcore_barrier()

        def wb_body(t, _):
            cix = sid + t * ns

            @pl.when(cix < ncht)
            def _():
                r0 = cix * ch
                pltpu.sync_copy(acc.at[pl.ds(r0, ch)],
                                rows[0].at[pl.ds(0, ch)])
                pltpu.sync_copy(rows[0].at[pl.ds(0, ch)],
                                out_hbm.at[pl.ds(cid * _N + r0, ch)])
            return 0

        lax.fori_loop(0, tpt, wb_body, 0)

    return seg_sum



def _mmA_body(acc_ref, h_ref, w_ref, b_ref, t_ref, st_ref):
    i = pl.program_id(0)
    pooled = acc_ref[0] + acc_ref[1] - h_ref[...]
    t = jnp.dot(pooled, w_ref[...], preferred_element_type=jnp.float32)
    t = t + b_ref[0:1, :]
    t_ref[...] = t
    s1 = jnp.sum(t, axis=0, keepdims=True)
    s2 = jnp.sum(t * t, axis=0, keepdims=True)
    s3 = jnp.sum(h_ref[...], axis=0, keepdims=True)
    st = jnp.concatenate(
        [s1, s2, s3, jnp.zeros((5, _D), jnp.float32)], axis=0)

    @pl.when(i == 0)
    def _():
        st_ref[...] = st

    @pl.when(i != 0)
    def _():
        st_ref[...] = st_ref[...] + st


def _mmA(acc, h, w1, b1):
    return pl.pallas_call(
        _mmA_body,
        grid=(_N // _BR,),
        in_specs=[
            pl.BlockSpec((2, _BR, _D), lambda i: (0, i, 0)),
            pl.BlockSpec((_BR, _D), lambda i: (i, 0)),
            pl.BlockSpec((_D, _D), lambda i: (0, 0)),
            pl.BlockSpec((1, _D), lambda i: (0, 0)),
        ],
        out_specs=[
            pl.BlockSpec((_BR, _D), lambda i: (i, 0)),
            pl.BlockSpec((8, _D), lambda i: (0, 0)),
        ],
        out_shape=[
            jax.ShapeDtypeStruct((_N, _D), jnp.float32),
            jax.ShapeDtypeStruct((8, _D), jnp.float32),
        ],
    )(acc, h, w1, b1.reshape(1, _D))


def _mmB_body(t_ref, st_ref, p_ref, w2_ref, u_ref, st2_ref):
    i = pl.program_id(0)
    mu = st_ref[0:1, :] * (1.0 / _N)
    var = st_ref[1:2, :] * (1.0 / _N) - mu * mu
    inv = lax.rsqrt(var + _EPS)
    h1 = jnp.maximum(p_ref[0:1, :] * (t_ref[...] - mu) * inv + p_ref[1:2, :], 0.0)
    u = jnp.dot(h1, w2_ref[...], preferred_element_type=jnp.float32)
    u = u + p_ref[2:3, :]
    u_ref[...] = u
    s1 = jnp.sum(u, axis=0, keepdims=True)
    s2 = jnp.sum(u * u, axis=0, keepdims=True)
    st = jnp.concatenate([s1, s2, jnp.zeros((6, _D), jnp.float32)], axis=0)

    @pl.when(i == 0)
    def _():
        st2_ref[...] = st

    @pl.when(i != 0)
    def _():
        st2_ref[...] = st2_ref[...] + st


def _mmB(t, st, bng, bnb, w2, b2):
    p = jnp.stack([bng, bnb, b2], axis=0)
    return pl.pallas_call(
        _mmB_body,
        grid=(_N // _BR,),
        in_specs=[
            pl.BlockSpec((_BR, _D), lambda i: (i, 0)),
            pl.BlockSpec((8, _D), lambda i: (0, 0)),
            pl.BlockSpec((3, _D), lambda i: (0, 0)),
            pl.BlockSpec((_D, _D), lambda i: (0, 0)),
        ],
        out_specs=[
            pl.BlockSpec((_BR, _D), lambda i: (i, 0)),
            pl.BlockSpec((8, _D), lambda i: (0, 0)),
        ],
        out_shape=[
            jax.ShapeDtypeStruct((_N, _D), jnp.float32),
            jax.ShapeDtypeStruct((8, _D), jnp.float32),
        ],
    )(t, st, p, w2)


def _bnC_body(u_ref, st_ref, p_ref, h_ref):
    mu = st_ref[0:1, :] * (1.0 / _N)
    var = st_ref[1:2, :] * (1.0 / _N) - mu * mu
    inv = lax.rsqrt(var + _EPS)
    h_ref[...] = jnp.maximum(
        p_ref[0:1, :] * (u_ref[...] - mu) * inv + p_ref[1:2, :], 0.0)


def _bnC(u, st, g, b):
    p = jnp.stack([g, b], axis=0)
    return pl.pallas_call(
        _bnC_body,
        grid=(_N // _BR,),
        in_specs=[
            pl.BlockSpec((_BR, _D), lambda i: (i, 0)),
            pl.BlockSpec((8, _D), lambda i: (0, 0)),
            pl.BlockSpec((2, _D), lambda i: (0, 0)),
        ],
        out_specs=pl.BlockSpec((_BR, _D), lambda i: (i, 0)),
        out_shape=jax.ShapeDtypeStruct((_N, _D), jnp.float32),
    )(u, st, p)


def _bnD_body(u_ref, st_ref, p_ref, s_ref):
    i = pl.program_id(0)
    mu = st_ref[0:1, :] * (1.0 / _N)
    var = st_ref[1:2, :] * (1.0 / _N) - mu * mu
    inv = lax.rsqrt(var + _EPS)
    h = jnp.maximum(p_ref[0:1, :] * (u_ref[...] - mu) * inv + p_ref[1:2, :], 0.0)
    s = jnp.concatenate(
        [jnp.sum(h, axis=0, keepdims=True), jnp.zeros((7, _D), jnp.float32)],
        axis=0)

    @pl.when(i == 0)
    def _():
        s_ref[...] = s

    @pl.when(i != 0)
    def _():
        s_ref[...] = s_ref[...] + s


def _bnD(u, st, g, b):
    p = jnp.stack([g, b], axis=0)
    return pl.pallas_call(
        _bnD_body,
        grid=(_N // _BR,),
        in_specs=[
            pl.BlockSpec((_BR, _D), lambda i: (i, 0)),
            pl.BlockSpec((8, _D), lambda i: (0, 0)),
            pl.BlockSpec((2, _D), lambda i: (0, 0)),
        ],
        out_specs=pl.BlockSpec((8, _D), lambda i: (0, 0)),
        out_shape=jax.ShapeDtypeStruct((8, _D), jnp.float32),
    )(u, st, p)


def _pred_body(s0_ref, s1_ref, s2_ref, pw_ref, pb_ref, o_ref):
    o = jnp.dot(s0_ref[2:3, :], pw_ref[0], preferred_element_type=jnp.float32)
    o = o + jnp.dot(s1_ref[2:3, :], pw_ref[1],
                    preferred_element_type=jnp.float32)
    o = o + jnp.dot(s2_ref[0:1, :], pw_ref[2],
                    preferred_element_type=jnp.float32)
    o_ref[...] = o + pb_ref[0:1, :] + pb_ref[1:2, :] + pb_ref[2:3, :]


def _pred(stA0, stA1, stD, pws, pbs):
    return pl.pallas_call(
        _pred_body,
        out_shape=jax.ShapeDtypeStruct((1, _D), jnp.float32),
    )(stA0, stA1, stD, pws, pbs)



def kernel(x, edge_index,
           l0_w1, l0_b1, l0_bng, l0_bnb, l0_w2, l0_b2, l0_g, l0_b,
           l1_w1, l1_b1, l1_bng, l1_bnb, l1_w2, l1_b2, l1_g, l1_b,
           pred_w0, pred_b0, pred_w1, pred_b1, pred_w2, pred_b2):
    nw, epw = 32, _E // 32
    src = edge_index[0].reshape(nw, epw)
    dst = edge_index[1].reshape(nw, _NITER, _K)
    seg_sum = _make_seg_sum()

    c = pred_b0.shape[0]
    pws = jnp.zeros((3, _D, _D), jnp.float32)
    pws = pws.at[0, :, :c].set(pred_w0)
    pws = pws.at[1, :, :c].set(pred_w1)
    pws = pws.at[2, :, :c].set(pred_w2)
    pbs = jnp.zeros((3, _D), jnp.float32)
    pbs = pbs.at[0, :c].set(pred_b0)
    pbs = pbs.at[1, :c].set(pred_b1)
    pbs = pbs.at[2, :c].set(pred_b2)

    acc = seg_sum(x, src, dst).reshape(2, _N, _D)
    t0, stA0 = _mmA(acc, x, l0_w1, l0_b1)
    u0, stB0 = _mmB(t0, stA0, l0_bng, l0_bnb, l0_w2, l0_b2)
    h0 = _bnC(u0, stB0, l0_g, l0_b)

    acc = seg_sum(h0, src, dst).reshape(2, _N, _D)
    t1, stA1 = _mmA(acc, h0, l1_w1, l1_b1)
    u1, stB1 = _mmB(t1, stA1, l1_bng, l1_bnb, l1_w2, l1_b2)
    stD = _bnD(u1, stB1, l1_g, l1_b)

    score = _pred(stA0, stA1, stD, pws, pbs)
    return score[:, :c]

# --- scband reference (transcript-rebuilt; emitter-appended) ---
"""Pipeline reference for scband-graph-cnn-87729001988408 (READ-ONLY COPY).

The authoritative reference and input builder live on the scoring server;
editing this copy changes nothing except your own understanding.
"""

import jax, jax.numpy as jnp
import numpy as np

N = 10000
E = 320000
D = 128
H = 128
C = 10

def _init_w(key, shape, scale):
    return jax.random.normal(key, shape, jnp.float32) * scale

def setup_inputs(seed: int = 0):
    key = jax.random.key(seed)
    ks = jax.random.split(key, 32)
    inp = {}
    inp["x"] = jax.random.normal(ks[0], (N, D), jnp.float32)
    inp["edge_index"] = jax.random.randint(ks[1], (2, E), 0, N, dtype=jnp.int32)
    i = 2
    for l, din in [(0, D), (1, H)]:
        inp["l%d_w1" % l] = _init_w(ks[i], (din, H), (2.0 / din) ** 0.5); i += 1
        inp["l%d_b1" % l] = jnp.zeros((H,), jnp.float32)
        inp["l%d_bng" % l] = jnp.ones((H,), jnp.float32)
        inp["l%d_bnb" % l] = jnp.zeros((H,), jnp.float32)
        inp["l%d_w2" % l] = _init_w(ks[i], (H, H), (2.0 / H) ** 0.5); i += 1
        inp["l%d_b2" % l] = jnp.zeros((H,), jnp.float32)
        inp["l%d_g" % l] = jnp.ones((H,), jnp.float32)
        inp["l%d_b" % l] = jnp.zeros((H,), jnp.float32)
    for l, din in [(0, D), (1, H), (2, H)]:
        inp["pred_w%d" % l] = _init_w(ks[i], (din, C), (1.0 / din) ** 0.5); i += 1
        inp["pred_b%d" % l] = jnp.zeros((C,), jnp.float32)
    return inp

def _bn(h, g, b):
    mu = jnp.mean(h, axis=0)
    var = jnp.var(h, axis=0)
    return g * (h - mu) / jnp.sqrt(var + 1e-5) + b

def reference(x, edge_index,
              l0_w1, l0_b1, l0_bng, l0_bnb, l0_w2, l0_b2, l0_g, l0_b,
              l1_w1, l1_b1, l1_bng, l1_bnb, l1_w2, l1_b2, l1_g, l1_b,
              pred_w0, pred_b0, pred_w1, pred_b1, pred_w2, pred_b2):
    src = edge_index[0]
    dst = edge_index[1]
    layers = [
        (l0_w1, l0_b1, l0_bng, l0_bnb, l0_w2, l0_b2, l0_g, l0_b),
        (l1_w1, l1_b1, l1_bng, l1_bnb, l1_w2, l1_b2, l1_g, l1_b),
    ]
    hidden_rep = [x]
    h = x
    for (w1, b1, bng, bnb, w2, b2, g, b) in layers:
        # sum neighbor pooling: sparse Adj (edges + self loops) @ h
        pooled = jax.ops.segment_sum(h[src], dst, num_segments=N) + h
        # MLP (num_mlp_layers=2): linear -> BN -> relu -> linear
        h1 = jax.nn.relu(_bn(pooled @ w1 + b1, bng, bnb))
        h2 = h1 @ w2 + b2
        # outer batch_norm + relu
        h = jax.nn.relu(_bn(h2, g, b))
        hidden_rep.append(h)
    preds = [(pred_w0, pred_b0), (pred_w1, pred_b1), (pred_w2, pred_b2)]
    score = jnp.zeros((1, C), jnp.float32)
    for hr, (pw, pb) in zip(hidden_rep, preds):
        # graph pooling 'sum' over a single batched graph; dropout in eval mode = identity
        pooled_h = jnp.sum(hr, axis=0, keepdims=True)
        score = score + pooled_h @ pw + pb
    return score

if __name__ == "__main__":
    import jax
    _d = setup_inputs()
    print(jax.jit(kernel)(*tuple(_d.values())))

</pallas_src>

<mosaic_0001>
#map = affine_map<(d0, d1) -> (0, 0)>
#map1 = affine_map<(d0, d1) -> (0, 0, 0)>
module attributes {stable_mosaic.version = 14 : i64} {
  func.func @seg_sum(%arg0: i32, %arg1: i32, %arg2: memref<10000x128xf32, #tpu.memory_space<hbm>>, %arg3: memref<32x10000xi32, #tpu.memory_space<hbm>>, %arg4: memref<32x125x80xi32, #tpu.memory_space<hbm>>, %arg5: memref<20000x128xf32, #tpu.memory_space<hbm>>, %arg6: memref<10000x128xf32, #tpu.memory_space<vmem_shared>>, %arg7: memref<10000xi32, #tpu.memory_space<vmem>>, %arg8: memref<125x80xi32, #tpu.memory_space<vmem>>, %arg9: memref<80x128xf32, #tpu.memory_space<vmem>>, %arg10: memref<80x128xf32, #tpu.memory_space<vmem>>, %arg11: memref<!tpu.dma_semaphore, #tpu.memory_space<semaphore_mem>>, %arg12: memref<!tpu.dma_semaphore, #tpu.memory_space<semaphore_mem>>, %arg13: memref<!tpu.dma_semaphore, #tpu.memory_space<semaphore_mem>>) attributes {dimension_semantics = [#tpu.dimension_semantics<core_parallel>, #tpu.dimension_semantics<subcore_parallel>], iteration_bounds = array<i64: 2, 16>, scalar_prefetch = 0 : i64, scratch_operands = 8 : i64, tpu.core_type = #tpu.core_type<sc_vector_subcore>, window_params = [{transform_indices = #map}, {transform_indices = #map}, {transform_indices = #map1}, {transform_indices = #map}]} {
    %mul3A = arith.constant 2 : i32
    %mul3A_0 = arith.muli %arg1, %mul3A : i32
    %add3A = arith.addi %mul3A_0, %arg0 : i32
    %dma_start3A = arith.constant 0 : i32
    %dma_start3A_1 = tpu.memref_slice %arg3[%add3A, %dma_start3A] : memref<32x10000xi32, #tpu.memory_space<hbm>> -> memref<1x10000xi32, #tpu.memory_space<hbm>>
    %dma_start3A_2 = tpu.memref_squeeze %dma_start3A_1 : memref<1x10000xi32, #tpu.memory_space<hbm>> -> memref<10000xi32, #tpu.memory_space<hbm>>
    %dma_start3A_3 = arith.constant 0 : i32
    %dma_start3A_4 = tpu.memref_slice %arg3[%add3A, %dma_start3A_3] : memref<32x10000xi32, #tpu.memory_space<hbm>> -> memref<1x10000xi32, #tpu.memory_space<hbm>>
    %dma_start3A_5 = tpu.memref_squeeze %dma_start3A_4 : memref<1x10000xi32, #tpu.memory_space<hbm>> -> memref<10000xi32, #tpu.memory_space<hbm>>
    tpu.enqueue_dma source(%dma_start3A_5 : memref<10000xi32, #tpu.memory_space<hbm>>) target(%arg7 : memref<10000xi32, #tpu.memory_space<vmem>>) target_semaphore(%arg13 : memref<!tpu.dma_semaphore, #tpu.memory_space<semaphore_mem>>)
    %dma_start3A_6 = arith.constant 0 : i32
    %dma_start3A_7 = arith.constant 0 : i32
    %dma_start3A_8 = tpu.memref_slice %arg4[%add3A, %dma_start3A_6, %dma_start3A_7] : memref<32x125x80xi32, #tpu.memory_space<hbm>> -> memref<1x125x80xi32, #tpu.memory_space<hbm>>
    %dma_start3A_9 = tpu.memref_squeeze %dma_start3A_8 : memref<1x125x80xi32, #tpu.memory_space<hbm>> -> memref<125x80xi32, #tpu.memory_space<hbm>>
    %dma_start3A_10 = arith.constant 0 : i32
    %dma_start3A_11 = arith.constant 0 : i32
    %dma_start3A_12 = tpu.memref_slice %arg4[%add3A, %dma_start3A_10, %dma_start3A_11] : memref<32x125x80xi32, #tpu.memory_space<hbm>> -> memref<1x125x80xi32, #tpu.memory_space<hbm>>
    %dma_start3A_13 = tpu.memref_squeeze %dma_start3A_12 : memref<1x125x80xi32, #tpu.memory_space<hbm>> -> memref<125x80xi32, #tpu.memory_space<hbm>>
    tpu.enqueue_dma source(%dma_start3A_13 : memref<125x80xi32, #tpu.memory_space<hbm>>) target(%arg8 : memref<125x80xi32, #tpu.memory_space<vmem>>) target_semaphore(%arg13 : memref<!tpu.dma_semaphore, #tpu.memory_space<semaphore_mem>>)
    %scan3A = arith.constant 0 : i32
    %scan3A_14 = arith.constant 0 : i32
    %scan3A_15 = arith.constant 8 : i32
    %scan3A_16 = arith.addi %scan3A_14, %scan3A_15 : i32
    %scan3A_17 = arith.constant 1 : i32
    %scan3A_18 = scf.for %scan3A_80 = %scan3A_14 to %scan3A_16 step %scan3A_17 iter_args(%scan3A_81 = %scan3A) -> (i32)  : i32 {
      %mul3A_82 = arith.constant 16 : i32
      %mul3A_83 = arith.muli %scan3A_80, %mul3A_82 : i32
      %add3A_84 = arith.addi %arg1, %mul3A_83 : i32
      %lt3A = arith.constant 125 : i32
      %lt3A_85 = arith.cmpi slt, %add3A_84, %lt3A : i32
      %convert_element_type3A = arith.extui %lt3A_85 : i1 to i32
      %cond3A = arith.constant 0 : i32
      %cond3A_86 = arith.cmpi ne, %convert_element_type3A, %cond3A : i32
      scf.if %cond3A_86 {
        %mul3A_88 = arith.constant 80 : i32
        %mul3A_89 = arith.muli %add3A_84, %mul3A_88 : i32
        "tpu.region"() ({
          %run_scoped3A_90 = tpu.sem_alloc : memref<!tpu.dma_semaphore, #tpu.memory_space<semaphore_mem>>
          %dma_start3A_91 = arith.constant 0 : i32
          %dma_start3A_92 = arith.constant 0 : i32
          %dma_start3A_93 = tpu.memref_slice %arg9[%dma_start3A_91, %dma_start3A_92] : memref<80x128xf32, #tpu.memory_space<vmem>> -> memref<80x128xf32, #tpu.memory_space<vmem>>
          %dma_start3A_94 = arith.constant 0 : i32
          %dma_start3A_95 = tpu.memref_slice %arg2[%mul3A_89, %dma_start3A_94] : memref<10000x128xf32, #tpu.memory_space<hbm>> -> memref<80x128xf32, #tpu.memory_space<hbm>>
          %dma_start3A_96 = arith.constant 0 : i32
          %dma_start3A_97 = arith.constant 0 : i32
          %dma_start3A_98 = tpu.memref_slice %arg9[%dma_start3A_96, %dma_start3A_97] : memref<80x128xf32, #tpu.memory_space<vmem>> -> memref<80x128xf32, #tpu.memory_space<vmem>>
          %dma_start3A_99 = arith.constant 0 : i32
          %dma_start3A_100 = tpu.memref_slice %arg2[%mul3A_89, %dma_start3A_99] : memref<10000x128xf32, #tpu.memory_space<hbm>> -> memref<80x128xf32, #tpu.memory_space<hbm>>
          tpu.enqueue_dma source(%dma_start3A_100 : memref<80x128xf32, #tpu.memory_space<hbm>>) target(%dma_start3A_98 : memref<80x128xf32, #tpu.memory_space<vmem>>) target_semaphore(%run_scoped3A_90 : memref<!tpu.dma_semaphore, #tpu.memory_space<semaphore_mem>>)
          %dma_wait3A_101 = arith.constant 0 : i32
          %dma_wait3A_102 = arith.constant 0 : i32
          %dma_wait3A_103 = tpu.memref_slice %arg9[%dma_wait3A_101, %dma_wait3A_102] : memref<80x128xf32, #tpu.memory_space<vmem>> -> memref<80x128xf32, #tpu.memory_space<vmem>>
          %dma_wait3A_104 = arith.constant 0 : i32
          %dma_wait3A_105 = tpu.memref_slice %arg2[%mul3A_89, %dma_wait3A_104] : memref<10000x128xf32, #tpu.memory_space<hbm>> -> memref<80x128xf32, #tpu.memory_space<hbm>>
          %dma_wait3A_106 = arith.constant 0 : i32
          %dma_wait3A_107 = arith.constant 0 : i32
          %dma_wait3A_108 = tpu.memref_slice %arg9[%dma_wait3A_106, %dma_wait3A_107] : memref<80x128xf32, #tpu.memory_space<vmem>> -> memref<80x128xf32, #tpu.memory_space<vmem>>
          %dma_wait3A_109 = arith.constant 0 : i32
          %dma_wait3A_110 = tpu.memref_slice %arg2[%mul3A_89, %dma_wait3A_109] : memref<10000x128xf32, #tpu.memory_space<hbm>> -> memref<80x128xf32, #tpu.memory_space<hbm>>
          tpu.wait_dma2 semaphore(%run_scoped3A_90 : memref<!tpu.dma_semaphore, #tpu.memory_space<semaphore_mem>>) src(%dma_wait3A_110 : memref<80x128xf32, #tpu.memory_space<hbm>>) dst(%dma_wait3A_108 : memref<80x128xf32, #tpu.memory_space<vmem>>)
          tpu.yield
        }) : () -> ()
        "tpu.region"() ({
          %run_scoped3A_90 = tpu.sem_alloc : memref<!tpu.dma_semaphore, #tpu.memory_space<semaphore_mem>>
          %dma_start3A_91 = arith.constant 0 : i32
          %dma_start3A_92 = arith.constant 0 : i32
          %dma_start3A_93 = tpu.memref_slice %arg9[%dma_start3A_91, %dma_start3A_92] : memref<80x128xf32, #tpu.memory_space<vmem>> -> memref<80x128xf32, #tpu.memory_space<vmem>>
          %dma_start3A_94 = arith.constant 0 : i32
          %dma_start3A_95 = tpu.memref_slice %arg6[%mul3A_89, %dma_start3A_94] : memref<10000x128xf32, #tpu.memory_space<vmem_shared>> -> memref<80x128xf32, #tpu.memory_space<vmem_shared>>
          %dma_start3A_96 = arith.constant 0 : i32
          %dma_start3A_97 = tpu.memref_slice %arg6[%mul3A_89, %dma_start3A_96] : memref<10000x128xf32, #tpu.memory_space<vmem_shared>> -> memref<80x128xf32, #tpu.memory_space<vmem_shared>>
          %dma_start3A_98 = arith.constant 0 : i32
          %dma_start3A_99 = arith.constant 0 : i32
          %dma_start3A_100 = tpu.memref_slice %arg9[%dma_start3A_98, %dma_start3A_99] : memref<80x128xf32, #tpu.memory_space<vmem>> -> memref<80x128xf32, #tpu.memory_space<vmem>>
          tpu.enqueue_dma source(%dma_start3A_100 : memref<80x128xf32, #tpu.memory_space<vmem>>) target(%dma_start3A_97 : memref<80x128xf32, #tpu.memory_space<vmem_shared>>) target_semaphore(%run_scoped3A_90 : memref<!tpu.dma_semaphore, #tpu.memory_space<semaphore_mem>>)
          %dma_wait3A_101 = arith.constant 0 : i32
          %dma_wait3A_102 = arith.constant 0 : i32
          %dma_wait3A_103 = tpu.memref_slice %arg9[%dma_wait3A_101, %dma_wait3A_102] : memref<80x128xf32, #tpu.memory_space<vmem>> -> memref<80x128xf32, #tpu.memory_space<vmem>>
          %dma_wait3A_104 = arith.constant 0 : i32
          %dma_wait3A_105 = tpu.memref_slice %arg6[%mul3A_89, %dma_wait3A_104] : memref<10000x128xf32, #tpu.memory_space<vmem_shared>> -> memref<80x128xf32, #tpu.memory_space<vmem_shared>>
          %dma_wait3A_106 = arith.constant 0 : i32
          %dma_wait3A_107 = tpu.memref_slice %arg6[%mul3A_89, %dma_wait3A_106] : memref<10000x128xf32, #tpu.memory_space<vmem_shared>> -> memref<80x128xf32, #tpu.memory_space<vmem_shared>>
          %dma_wait3A_108 = arith.constant 0 : i32
          %dma_wait3A_109 = arith.constant 0 : i32
          %dma_wait3A_110 = tpu.memref_slice %arg9[%dma_wait3A_108, %dma_wait3A_109] : memref<80x128xf32, #tpu.memory_space<vmem>> -> memref<80x128xf32, #tpu.memory_space<vmem>>
          tpu.wait_dma2 semaphore(%run_scoped3A_90 : memref<!tpu.dma_semaphore, #tpu.memory_space<semaphore_mem>>) src(%dma_wait3A_110 : memref<80x128xf32, #tpu.memory_space<vmem>>) dst(%dma_wait3A_107 : memref<80x128xf32, #tpu.memory_space<vmem_shared>>)
          tpu.yield
        }) : () -> ()
      } else {
      }
      %scan3A_87 = arith.constant 0 : i32
      scf.yield %scan3A_87 : i32
    }
    %scan3A_19 = arith.constant 8 : i32
    %dma_wait3A = arith.constant 0 : i32
    %dma_wait3A_20 = tpu.memref_slice %arg3[%add3A, %dma_wait3A] : memref<32x10000xi32, #tpu.memory_space<hbm>> -> memref<1x10000xi32, #tpu.memory_space<hbm>>
    %dma_wait3A_21 = tpu.memref_squeeze %dma_wait3A_20 : memref<1x10000xi32, #tpu.memory_space<hbm>> -> memref<10000xi32, #tpu.memory_space<hbm>>
    %dma_wait3A_22 = arith.constant 0 : i32
    %dma_wait3A_23 = tpu.memref_slice %arg3[%add3A, %dma_wait3A_22] : memref<32x10000xi32, #tpu.memory_space<hbm>> -> memref<1x10000xi32, #tpu.memory_space<hbm>>
    %dma_wait3A_24 = tpu.memref_squeeze %dma_wait3A_23 : memref<1x10000xi32, #tpu.memory_space<hbm>> -> memref<10000xi32, #tpu.memory_space<hbm>>
    tpu.wait_dma2 semaphore(%arg13 : memref<!tpu.dma_semaphore, #tpu.memory_space<semaphore_mem>>) src(%dma_wait3A_24 : memref<10000xi32, #tpu.memory_space<hbm>>) dst(%arg7 : memref<10000xi32, #tpu.memory_space<vmem>>)
    %dma_wait3A_25 = arith.constant 0 : i32
    %dma_wait3A_26 = arith.constant 0 : i32
    %dma_wait3A_27 = tpu.memref_slice %arg4[%add3A, %dma_wait3A_25, %dma_wait3A_26] : memref<32x125x80xi32, #tpu.memory_space<hbm>> -> memref<1x125x80xi32, #tpu.memory_space<hbm>>
    %dma_wait3A_28 = tpu.memref_squeeze %dma_wait3A_27 : memref<1x125x80xi32, #tpu.memory_space<hbm>> -> memref<125x80xi32, #tpu.memory_space<hbm>>
    %dma_wait3A_29 = arith.constant 0 : i32
    %dma_wait3A_30 = arith.constant 0 : i32
    %dma_wait3A_31 = tpu.memref_slice %arg4[%add3A, %dma_wait3A_29, %dma_wait3A_30] : memref<32x125x80xi32, #tpu.memory_space<hbm>> -> memref<1x125x80xi32, #tpu.memory_space<hbm>>
    %dma_wait3A_32 = tpu.memref_squeeze %dma_wait3A_31 : memref<1x125x80xi32, #tpu.memory_space<hbm>> -> memref<125x80xi32, #tpu.memory_space<hbm>>
    tpu.wait_dma2 semaphore(%arg13 : memref<!tpu.dma_semaphore, #tpu.memory_space<semaphore_mem>>) src(%dma_wait3A_32 : memref<125x80xi32, #tpu.memory_space<hbm>>) dst(%arg8 : memref<125x80xi32, #tpu.memory_space<vmem>>)
    %barrier3A = arith.constant 0 : index
    tpu.barrier barrier_id(%barrier3A)
    %dma_start3A_33 = arith.constant 0 : i32
    %dma_start3A_34 = tpu.memref_slice %arg7[%dma_start3A_33] : memref<10000xi32, #tpu.memory_space<vmem>> -> memref<80xi32, #tpu.memory_space<vmem>>
    %dma_start3A_35 = arith.constant 0 : i32
    %dma_start3A_36 = arith.constant 0 : i32
    %dma_start3A_37 = tpu.memref_slice %arg2[%dma_start3A_35, %dma_start3A_36] : memref<10000x128xf32, #tpu.memory_space<hbm>> -> memref<10000x128xf32, #tpu.memory_space<hbm>>
    tpu.enqueue_indirect_dma source(%dma_start3A_37 : memref<10000x128xf32, #tpu.memory_space<hbm>>) target(%arg9 : memref<80x128xf32, #tpu.memory_space<vmem>>) offsets(%dma_start3A_34 : memref<80xi32, #tpu.memory_space<vmem>>) semaphore(%arg11 : memref<!tpu.dma_semaphore, #tpu.memory_space<semaphore_mem>>)
    %dma_start3A_38 = arith.constant 80 : i32
    %dma_start3A_39 = tpu.memref_slice %arg7[%dma_start3A_38] : memref<10000xi32, #tpu.memory_space<vmem>> -> memref<80xi32, #tpu.memory_space<vmem>>
    %dma_start3A_40 = arith.constant 0 : i32
    %dma_start3A_41 = arith.constant 0 : i32
    %dma_start3A_42 = tpu.memref_slice %arg2[%dma_start3A_40, %dma_start3A_41] : memref<10000x128xf32, #tpu.memory_space<hbm>> -> memref<10000x128xf32, #tpu.memory_space<hbm>>
    tpu.enqueue_indirect_dma source(%dma_start3A_42 : memref<10000x128xf32, #tpu.memory_space<hbm>>) target(%arg10 : memref<80x128xf32, #tpu.memory_space<vmem>>) offsets(%dma_start3A_39 : memref<80xi32, #tpu.memory_space<vmem>>) semaphore(%arg12 : memref<!tpu.dma_semaphore, #tpu.memory_space<semaphore_mem>>)
    %scan3A_43 = arith.constant 0 : i32
    %scan3A_44 = arith.constant 0 : i32
    %scan3A_45 = arith.constant 61 : i32
    %scan3A_46 = arith.addi %scan3A_44, %scan3A_45 : i32
    %scan3A_47 = arith.constant 1 : i32
    %scan3A_48 = scf.for %scan3A_80 = %scan3A_44 to %scan3A_46 step %scan3A_47 iter_args(%scan3A_81 = %scan3A_43) -> (i32)  : i32 {
      %mul3A_82 = arith.constant 2 : i32
      %mul3A_83 = arith.muli %mul3A_82, %scan3A_80 : i32
      %dma_wait3A_84 = arith.constant 0 : i32
      %dma_wait3A_85 = tpu.memref_slice %arg7[%dma_wait3A_84] : memref<10000xi32, #tpu.memory_space<vmem>> -> memref<80xi32, #tpu.memory_space<vmem>>
      %dma_wait3A_86 = arith.constant 0 : i32
      %dma_wait3A_87 = arith.constant 0 : i32
      %dma_wait3A_88 = tpu.memref_slice %arg2[%dma_wait3A_86, %dma_wait3A_87] : memref<10000x128xf32, #tpu.memory_space<hbm>> -> memref<10000x128xf32, #tpu.memory_space<hbm>>
      tpu.wait_indirect_dma semaphore(%arg11 : memref<!tpu.dma_semaphore, #tpu.memory_space<semaphore_mem>>) src(%dma_wait3A_88 : memref<10000x128xf32, #tpu.memory_space<hbm>>) dst(%arg9 : memref<80x128xf32, #tpu.memory_space<vmem>>)
      %add3A_89 = arith.constant 0 : i32
      %add3A_90 = arith.addi %mul3A_83, %add3A_89 : i32
      "tpu.region"() ({
        %run_scoped3A_119 = tpu.sem_alloc : memref<!tpu.dma_semaphore, #tpu.memory_space<semaphore_mem>>
        %dma_start3A_120 = arith.constant 0 : i32
        %dma_start3A_121 = tpu.memref_slice %arg8[%add3A_90, %dma_start3A_120] : memref<125x80xi32, #tpu.memory_space<vmem>> -> memref<1x80xi32, #tpu.memory_space<vmem>>
        %dma_start3A_122 = tpu.memref_squeeze %dma_start3A_121 : memref<1x80xi32, #tpu.memory_space<vmem>> -> memref<80xi32, #tpu.memory_space<vmem>>
        %dma_start3A_123 = arith.constant 0 : i32
        %dma_start3A_124 = arith.constant 0 : i32
        %dma_start3A_125 = tpu.memref_slice %arg6[%dma_start3A_123, %dma_start3A_124] : memref<10000x128xf32, #tpu.memory_space<vmem_shared>> -> memref<10000x128xf32, #tpu.memory_space<vmem_shared>>
        tpu.enqueue_indirect_dma source(%arg9 : memref<80x128xf32, #tpu.memory_space<vmem>>) target(%dma_start3A_125 : memref<10000x128xf32, #tpu.memory_space<vmem_shared>>) offsets(%dma_start3A_122 : memref<80xi32, #tpu.memory_space<vmem>>) semaphore(%run_scoped3A_119 : memref<!tpu.dma_semaphore, #tpu.memory_space<semaphore_mem>>) {add = true}
        %dma_wait3A_126 = arith.constant 0 : i32
        %dma_wait3A_127 = tpu.memref_slice %arg8[%add3A_90, %dma_wait3A_126] : memref<125x80xi32, #tpu.memory_space<vmem>> -> memref<1x80xi32, #tpu.memory_space<vmem>>
        %dma_wait3A_128 = tpu.memref_squeeze %dma_wait3A_127 : memref<1x80xi32, #tpu.memory_space<vmem>> -> memref<80xi32, #tpu.memory_space<vmem>>
        %dma_wait3A_129 = arith.constant 0 : i32
        %dma_wait3A_130 = arith.constant 0 : i32
        %dma_wait3A_131 = tpu.memref_slice %arg6[%dma_wait3A_129, %dma_wait3A_130] : memref<10000x128xf32, #tpu.memory_space<vmem_shared>> -> memref<10000x128xf32, #tpu.memory_space<vmem_shared>>
        tpu.wait_indirect_dma semaphore(%run_scoped3A_119 : memref<!tpu.dma_semaphore, #tpu.memory_space<semaphore_mem>>) src(%arg9 : memref<80x128xf32, #tpu.memory_space<vmem>>) dst(%dma_wait3A_131 : memref<10000x128xf32, #tpu.memory_space<vmem_shared>>)
        tpu.yield
      }) : () -> ()
      %add3A_91 = arith.constant 0 : i32
      %add3A_92 = arith.addi %mul3A_83, %add3A_91 : i32
      %add3A_93 = arith.constant 2 : i32
      %add3A_94 = arith.addi %add3A_92, %add3A_93 : i32
      %mul3A_95 = arith.constant 80 : i32
      %mul3A_96 = arith.muli %add3A_94, %mul3A_95 : i32
      %dma_start3A_97 = tpu.memref_slice %arg7[%mul3A_96] : memref<10000xi32, #tpu.memory_space<vmem>> -> memref<80xi32, #tpu.memory_space<vmem>>
      %dma_start3A_98 = arith.constant 0 : i32
      %dma_start3A_99 = arith.constant 0 : i32
      %dma_start3A_100 = tpu.memref_slice %arg2[%dma_start3A_98, %dma_start3A_99] : memref<10000x128xf32, #tpu.memory_space<hbm>> -> memref<10000x128xf32, #tpu.memory_space<hbm>>
      tpu.enqueue_indirect_dma source(%dma_start3A_100 : memref<10000x128xf32, #tpu.memory_space<hbm>>) target(%arg9 : memref<80x128xf32, #tpu.memory_space<vmem>>) offsets(%dma_start3A_97 : memref<80xi32, #tpu.memory_space<vmem>>) semaphore(%arg11 : memref<!tpu.dma_semaphore, #tpu.memory_space<semaphore_mem>>)
      %dma_wait3A_101 = arith.constant 0 : i32
      %dma_wait3A_102 = tpu.memref_slice %arg7[%dma_wait3A_101] : memref<10000xi32, #tpu.memory_space<vmem>> -> memref<80xi32, #tpu.memory_space<vmem>>
      %dma_wait3A_103 = arith.constant 0 : i32
      %dma_wait3A_104 = arith.constant 0 : i32
      %dma_wait3A_105 = tpu.memref_slice %arg2[%dma_wait3A_103, %dma_wait3A_104] : memref<10000x128xf32, #tpu.memory_space<hbm>> -> memref<10000x128xf32, #tpu.memory_space<hbm>>
      tpu.wait_indirect_dma semaphore(%arg12 : memref<!tpu.dma_semaphore, #tpu.memory_space<semaphore_mem>>) src(%dma_wait3A_105 : memref<10000x128xf32, #tpu.memory_space<hbm>>) dst(%arg10 : memref<80x128xf32, #tpu.memory_space<vmem>>)
      %add3A_106 = arith.constant 1 : i32
      %add3A_107 = arith.addi %mul3A_83, %add3A_106 : i32
      "tpu.region"() ({
        %run_scoped3A_119 = tpu.sem_alloc : memref<!tpu.dma_semaphore, #tpu.memory_space<semaphore_mem>>
        %dma_start3A_120 = arith.constant 0 : i32
        %dma_start3A_121 = tpu.memref_slice %arg8[%add3A_107, %dma_start3A_120] : memref<125x80xi32, #tpu.memory_space<vmem>> -> memref<1x80xi32, #tpu.memory_space<vmem>>
        %dma_start3A_122 = tpu.memref_squeeze %dma_start3A_121 : memref<1x80xi32, #tpu.memory_space<vmem>> -> memref<80xi32, #tpu.memory_space<vmem>>
        %dma_start3A_123 = arith.constant 0 : i32
        %dma_start3A_124 = arith.constant 0 : i32
        %dma_start3A_125 = tpu.memref_slice %arg6[%dma_start3A_123, %dma_start3A_124] : memref<10000x128xf32, #tpu.memory_space<vmem_shared>> -> memref<10000x128xf32, #tpu.memory_space<vmem_shared>>
        tpu.enqueue_indirect_dma source(%arg10 : memref<80x128xf32, #tpu.memory_space<vmem>>) target(%dma_start3A_125 : memref<10000x128xf32, #tpu.memory_space<vmem_shared>>) offsets(%dma_start3A_122 : memref<80xi32, #tpu.memory_space<vmem>>) semaphore(%run_scoped3A_119 : memref<!tpu.dma_semaphore, #tpu.memory_space<semaphore_mem>>) {add = true}
        %dma_wait3A_126 = arith.constant 0 : i32
        %dma_wait3A_127 = tpu.memref_slice %arg8[%add3A_107, %dma_wait3A_126] : memref<125x80xi32, #tpu.memory_space<vmem>> -> memref<1x80xi32, #tpu.memory_space<vmem>>
        %dma_wait3A_128 = tpu.memref_squeeze %dma_wait3A_127 : memref<1x80xi32, #tpu.memory_space<vmem>> -> memref<80xi32, #tpu.memory_space<vmem>>
        %dma_wait3A_129 = arith.constant 0 : i32
        %dma_wait3A_130 = arith.constant 0 : i32
        %dma_wait3A_131 = tpu.memref_slice %arg6[%dma_wait3A_129, %dma_wait3A_130] : memref<10000x128xf32, #tpu.memory_space<vmem_shared>> -> memref<10000x128xf32, #tpu.memory_space<vmem_shared>>
        tpu.wait_indirect_dma semaphore(%run_scoped3A_119 : memref<!tpu.dma_semaphore, #tpu.memory_space<semaphore_mem>>) src(%arg10 : memref<80x128xf32, #tpu.memory_space<vmem>>) dst(%dma_wait3A_131 : memref<10000x128xf32, #tpu.memory_space<vmem_shared>>)
        tpu.yield
      }) : () -> ()
      %add3A_108 = arith.constant 1 : i32
      %add3A_109 = arith.addi %mul3A_83, %add3A_108 : i32
      %add3A_110 = arith.constant 2 : i32
      %add3A_111 = arith.addi %add3A_109, %add3A_110 : i32
      %mul3A_112 = arith.constant 80 : i32
      %mul3A_113 = arith.muli %add3A_111, %mul3A_112 : i32
      %dma_start3A_114 = tpu.memref_slice %arg7[%mul3A_113] : memref<10000xi32, #tpu.memory_space<vmem>> -> memref<80xi32, #tpu.memory_space<vmem>>
      %dma_start3A_115 = arith.constant 0 : i32
      %dma_start3A_116 = arith.constant 0 : i32
      %dma_start3A_117 = tpu.memref_slice %arg2[%dma_start3A_115, %dma_start3A_116] : memref<10000x128xf32, #tpu.memory_space<hbm>> -> memref<10000x128xf32, #tpu.memory_space<hbm>>
      tpu.enqueue_indirect_dma source(%dma_start3A_117 : memref<10000x128xf32, #tpu.memory_space<hbm>>) target(%arg10 : memref<80x128xf32, #tpu.memory_space<vmem>>) offsets(%dma_start3A_114 : memref<80xi32, #tpu.memory_space<vmem>>) semaphore(%arg12 : memref<!tpu.dma_semaphore, #tpu.memory_space<semaphore_mem>>)
      %scan3A_118 = arith.constant 0 : i32
      scf.yield %scan3A_118 : i32
    }
    %scan3A_49 = arith.constant 61 : i32
    %dma_wait3A_50 = arith.constant 0 : i32
    %dma_wait3A_51 = tpu.memref_slice %arg7[%dma_wait3A_50] : memref<10000xi32, #tpu.memory_space<vmem>> -> memref<80xi32, #tpu.memory_space<vmem>>
    %dma_wait3A_52 = arith.constant 0 : i32
    %dma_wait3A_53 = arith.constant 0 : i32
    %dma_wait3A_54 = tpu.memref_slice %arg2[%dma_wait3A_52, %dma_wait3A_53] : memref<10000x128xf32, #tpu.memory_space<hbm>> -> memref<10000x128xf32, #tpu.memory_space<hbm>>
    tpu.wait_indirect_dma semaphore(%arg11 : memref<!tpu.dma_semaphore, #tpu.memory_space<semaphore_mem>>) src(%dma_wait3A_54 : memref<10000x128xf32, #tpu.memory_space<hbm>>) dst(%arg9 : memref<80x128xf32, #tpu.memory_space<vmem>>)
    %run_scoped3A = arith.constant 122 : i32
    "tpu.region"() ({
      %run_scoped3A_80 = tpu.sem_alloc : memref<!tpu.dma_semaphore, #tpu.memory_space<semaphore_mem>>
      %dma_start3A_81 = arith.constant 0 : i32
      %dma_start3A_82 = tpu.memref_slice %arg8[%run_scoped3A, %dma_start3A_81] : memref<125x80xi32, #tpu.memory_space<vmem>> -> memref<1x80xi32, #tpu.memory_space<vmem>>
      %dma_start3A_83 = tpu.memref_squeeze %dma_start3A_82 : memref<1x80xi32, #tpu.memory_space<vmem>> -> memref<80xi32, #tpu.memory_space<vmem>>
      %dma_start3A_84 = arith.constant 0 : i32
      %dma_start3A_85 = arith.constant 0 : i32
      %dma_start3A_86 = tpu.memref_slice %arg6[%dma_start3A_84, %dma_start3A_85] : memref<10000x128xf32, #tpu.memory_space<vmem_shared>> -> memref<10000x128xf32, #tpu.memory_space<vmem_shared>>
      tpu.enqueue_indirect_dma source(%arg9 : memref<80x128xf32, #tpu.memory_space<vmem>>) target(%dma_start3A_86 : memref<10000x128xf32, #tpu.memory_space<vmem_shared>>) offsets(%dma_start3A_83 : memref<80xi32, #tpu.memory_space<vmem>>) semaphore(%run_scoped3A_80 : memref<!tpu.dma_semaphore, #tpu.memory_space<semaphore_mem>>) {add = true}
      %dma_wait3A_87 = arith.constant 0 : i32
      %dma_wait3A_88 = tpu.memref_slice %arg8[%run_scoped3A, %dma_wait3A_87] : memref<125x80xi32, #tpu.memory_space<vmem>> -> memref<1x80xi32, #tpu.memory_space<vmem>>
      %dma_wait3A_89 = tpu.memref_squeeze %dma_wait3A_88 : memref<1x80xi32, #tpu.memory_space<vmem>> -> memref<80xi32, #tpu.memory_space<vmem>>
      %dma_wait3A_90 = arith.constant 0 : i32
      %dma_wait3A_91 = arith.constant 0 : i32
      %dma_wait3A_92 = tpu.memref_slice %arg6[%dma_wait3A_90, %dma_wait3A_91] : memref<10000x128xf32, #tpu.memory_space<vmem_shared>> -> memref<10000x128xf32, #tpu.memory_space<vmem_shared>>
      tpu.wait_indirect_dma semaphore(%run_scoped3A_80 : memref<!tpu.dma_semaphore, #tpu.memory_space<semaphore_mem>>) src(%arg9 : memref<80x128xf32, #tpu.memory_space<vmem>>) dst(%dma_wait3A_92 : memref<10000x128xf32, #tpu.memory_space<vmem_shared>>)
      tpu.yield
    }) : () -> ()
    %dma_start3A_55 = arith.constant 9920 : i32
    %dma_start3A_56 = tpu.memref_slice %arg7[%dma_start3A_55] : memref<10000xi32, #tpu.memory_space<vmem>> -> memref<80xi32, #tpu.memory_space<vmem>>
    %dma_start3A_57 = arith.constant 0 : i32
    %dma_start3A_58 = arith.constant 0 : i32
    %dma_start3A_59 = tpu.memref_slice %arg2[%dma_start3A_57, %dma_start3A_58] : memref<10000x128xf32, #tpu.memory_space<hbm>> -> memref<10000x128xf32, #tpu.memory_space<hbm>>
    tpu.enqueue_indirect_dma source(%dma_start3A_59 : memref<10000x128xf32, #tpu.memory_space<hbm>>) target(%arg9 : memref<80x128xf32, #tpu.memory_space<vmem>>) offsets(%dma_start3A_56 : memref<80xi32, #tpu.memory_space<vmem>>) semaphore(%arg11 : memref<!tpu.dma_semaphore, #tpu.memory_space<semaphore_mem>>)
    %dma_wait3A_60 = arith.constant 0 : i32
    %dma_wait3A_61 = tpu.memref_slice %arg7[%dma_wait3A_60] : memref<10000xi32, #tpu.memory_space<vmem>> -> memref<80xi32, #tpu.memory_space<vmem>>
    %dma_wait3A_62 = arith.constant 0 : i32
    %dma_wait3A_63 = arith.constant 0 : i32
    %dma_wait3A_64 = tpu.memref_slice %arg2[%dma_wait3A_62, %dma_wait3A_63] : memref<10000x128xf32, #tpu.memory_space<hbm>> -> memref<10000x128xf32, #tpu.memory_space<hbm>>
    tpu.wait_indirect_dma semaphore(%arg12 : memref<!tpu.dma_semaphore, #tpu.memory_space<semaphore_mem>>) src(%dma_wait3A_64 : memref<10000x128xf32, #tpu.memory_space<hbm>>) dst(%arg10 : memref<80x128xf32, #tpu.memory_space<vmem>>)
    %run_scoped3A_65 = arith.constant 123 : i32
    "tpu.region"() ({
      %run_scoped3A_80 = tpu.sem_alloc : memref<!tpu.dma_semaphore, #tpu.memory_space<semaphore_mem>>
      %dma_start3A_81 = arith.constant 0 : i32
      %dma_start3A_82 = tpu.memref_slice %arg8[%run_scoped3A_65, %dma_start3A_81] : memref<125x80xi32, #tpu.memory_space<vmem>> -> memref<1x80xi32, #tpu.memory_space<vmem>>
      %dma_start3A_83 = tpu.memref_squeeze %dma_start3A_82 : memref<1x80xi32, #tpu.memory_space<vmem>> -> memref<80xi32, #tpu.memory_space<vmem>>
      %dma_start3A_84 = arith.constant 0 : i32
      %dma_start3A_85 = arith.constant 0 : i32
      %dma_start3A_86 = tpu.memref_slice %arg6[%dma_start3A_84, %dma_start3A_85] : memref<10000x128xf32, #tpu.memory_space<vmem_shared>> -> memref<10000x128xf32, #tpu.memory_space<vmem_shared>>
      tpu.enqueue_indirect_dma source(%arg10 : memref<80x128xf32, #tpu.memory_space<vmem>>) target(%dma_start3A_86 : memref<10000x128xf32, #tpu.memory_space<vmem_shared>>) offsets(%dma_start3A_83 : memref<80xi32, #tpu.memory_space<vmem>>) semaphore(%run_scoped3A_80 : memref<!tpu.dma_semaphore, #tpu.memory_space<semaphore_mem>>) {add = true}
      %dma_wait3A_87 = arith.constant 0 : i32
      %dma_wait3A_88 = tpu.memref_slice %arg8[%run_scoped3A_65, %dma_wait3A_87] : memref<125x80xi32, #tpu.memory_space<vmem>> -> memref<1x80xi32, #tpu.memory_space<vmem>>
      %dma_wait3A_89 = tpu.memref_squeeze %dma_wait3A_88 : memref<1x80xi32, #tpu.memory_space<vmem>> -> memref<80xi32, #tpu.memory_space<vmem>>
      %dma_wait3A_90 = arith.constant 0 : i32
      %dma_wait3A_91 = arith.constant 0 : i32
      %dma_wait3A_92 = tpu.memref_slice %arg6[%dma_wait3A_90, %dma_wait3A_91] : memref<10000x128xf32, #tpu.memory_space<vmem_shared>> -> memref<10000x128xf32, #tpu.memory_space<vmem_shared>>
      tpu.wait_indirect_dma semaphore(%run_scoped3A_80 : memref<!tpu.dma_semaphore, #tpu.memory_space<semaphore_mem>>) src(%arg10 : memref<80x128xf32, #tpu.memory_space<vmem>>) dst(%dma_wait3A_92 : memref<10000x128xf32, #tpu.memory_space<vmem_shared>>)
      tpu.yield
    }) : () -> ()
    %dma_wait3A_66 = arith.constant 0 : i32
    %dma_wait3A_67 = tpu.memref_slice %arg7[%dma_wait3A_66] : memref<10000xi32, #tpu.memory_space<vmem>> -> memref<80xi32, #tpu.memory_space<vmem>>
    %dma_wait3A_68 = arith.constant 0 : i32
    %dma_wait3A_69 = arith.constant 0 : i32
    %dma_wait3A_70 = tpu.memref_slice %arg2[%dma_wait3A_68, %dma_wait3A_69] : memref<10000x128xf32, #tpu.memory_space<hbm>> -> memref<10000x128xf32, #tpu.memory_space<hbm>>
    tpu.wait_indirect_dma semaphore(%arg11 : memref<!tpu.dma_semaphore, #tpu.memory_space<semaphore_mem>>) src(%dma_wait3A_70 : memref<10000x128xf32, #tpu.memory_space<hbm>>) dst(%arg9 : memref<80x128xf32, #tpu.memory_space<vmem>>)
    %run_scoped3A_71 = arith.constant 124 : i32
    "tpu.region"() ({
      %run_scoped3A_80 = tpu.sem_alloc : memref<!tpu.dma_semaphore, #tpu.memory_space<semaphore_mem>>
      %dma_start3A_81 = arith.constant 0 : i32
      %dma_start3A_82 = tpu.memref_slice %arg8[%run_scoped3A_71, %dma_start3A_81] : memref<125x80xi32, #tpu.memory_space<vmem>> -> memref<1x80xi32, #tpu.memory_space<vmem>>
      %dma_start3A_83 = tpu.memref_squeeze %dma_start3A_82 : memref<1x80xi32, #tpu.memory_space<vmem>> -> memref<80xi32, #tpu.memory_space<vmem>>
      %dma_start3A_84 = arith.constant 0 : i32
      %dma_start3A_85 = arith.constant 0 : i32
      %dma_start3A_86 = tpu.memref_slice %arg6[%dma_start3A_84, %dma_start3A_85] : memref<10000x128xf32, #tpu.memory_space<vmem_shared>> -> memref<10000x128xf32, #tpu.memory_space<vmem_shared>>
      tpu.enqueue_indirect_dma source(%arg9 : memref<80x128xf32, #tpu.memory_space<vmem>>) target(%dma_start3A_86 : memref<10000x128xf32, #tpu.memory_space<vmem_shared>>) offsets(%dma_start3A_83 : memref<80xi32, #tpu.memory_space<vmem>>) semaphore(%run_scoped3A_80 : memref<!tpu.dma_semaphore, #tpu.memory_space<semaphore_mem>>) {add = true}
      %dma_wait3A_87 = arith.constant 0 : i32
      %dma_wait3A_88 = tpu.memref_slice %arg8[%run_scoped3A_71, %dma_wait3A_87] : memref<125x80xi32, #tpu.memory_space<vmem>> -> memref<1x80xi32, #tpu.memory_space<vmem>>
      %dma_wait3A_89 = tpu.memref_squeeze %dma_wait3A_88 : memref<1x80xi32, #tpu.memory_space<vmem>> -> memref<80xi32, #tpu.memory_space<vmem>>
      %dma_wait3A_90 = arith.constant 0 : i32
      %dma_wait3A_91 = arith.constant 0 : i32
      %dma_wait3A_92 = tpu.memref_slice %arg6[%dma_wait3A_90, %dma_wait3A_91] : memref<10000x128xf32, #tpu.memory_space<vmem_shared>> -> memref<10000x128xf32, #tpu.memory_space<vmem_shared>>
      tpu.wait_indirect_dma semaphore(%run_scoped3A_80 : memref<!tpu.dma_semaphore, #tpu.memory_space<semaphore_mem>>) src(%arg9 : memref<80x128xf32, #tpu.memory_space<vmem>>) dst(%dma_wait3A_92 : memref<10000x128xf32, #tpu.memory_space<vmem_shared>>)
      tpu.yield
    }) : () -> ()
    %barrier3A_72 = arith.constant 0 : index
    tpu.barrier barrier_id(%barrier3A_72)
    %scan3A_73 = arith.constant 0 : i32
    %scan3A_74 = arith.constant 0 : i32
    %scan3A_75 = arith.constant 8 : i32
    %scan3A_76 = arith.addi %scan3A_74, %scan3A_75 : i32
    %scan3A_77 = arith.constant 1 : i32
    %scan3A_78 = scf.for %scan3A_80 = %scan3A_74 to %scan3A_76 step %scan3A_77 iter_args(%scan3A_81 = %scan3A_73) -> (i32)  : i32 {
      %mul3A_82 = arith.constant 16 : i32
      %mul3A_83 = arith.muli %scan3A_80, %mul3A_82 : i32
      %add3A_84 = arith.addi %arg1, %mul3A_83 : i32
      %lt3A = arith.constant 125 : i32
      %lt3A_85 = arith.cmpi slt, %add3A_84, %lt3A : i32
      %convert_element_type3A = arith.extui %lt3A_85 : i1 to i32
      %cond3A = arith.constant 0 : i32
      %cond3A_86 = arith.cmpi ne, %convert_element_type3A, %cond3A : i32
      scf.if %cond3A_86 {
        %mul3A_88 = arith.constant 80 : i32
        %mul3A_89 = arith.muli %add3A_84, %mul3A_88 : i32
        "tpu.region"() ({
          %run_scoped3A_93 = tpu.sem_alloc : memref<!tpu.dma_semaphore, #tpu.memory_space<semaphore_mem>>
          %dma_start3A_94 = arith.constant 0 : i32
          %dma_start3A_95 = arith.constant 0 : i32
          %dma_start3A_96 = tpu.memref_slice %arg9[%dma_start3A_94, %dma_start3A_95] : memref<80x128xf32, #tpu.memory_space<vmem>> -> memref<80x128xf32, #tpu.memory_space<vmem>>
          %dma_start3A_97 = arith.constant 0 : i32
          %dma_start3A_98 = tpu.memref_slice %arg6[%mul3A_89, %dma_start3A_97] : memref<10000x128xf32, #tpu.memory_space<vmem_shared>> -> memref<80x128xf32, #tpu.memory_space<vmem_shared>>
          %dma_start3A_99 = arith.constant 0 : i32
          %dma_start3A_100 = arith.constant 0 : i32
          %dma_start3A_101 = tpu.memref_slice %arg9[%dma_start3A_99, %dma_start3A_100] : memref<80x128xf32, #tpu.memory_space<vmem>> -> memref<80x128xf32, #tpu.memory_space<vmem>>
          %dma_start3A_102 = arith.constant 0 : i32
          %dma_start3A_103 = tpu.memref_slice %arg6[%mul3A_89, %dma_start3A_102] : memref<10000x128xf32, #tpu.memory_space<vmem_shared>> -> memref<80x128xf32, #tpu.memory_space<vmem_shared>>
          tpu.enqueue_dma source(%dma_start3A_103 : memref<80x128xf32, #tpu.memory_space<vmem_shared>>) target(%dma_start3A_101 : memref<80x128xf32, #tpu.memory_space<vmem>>) target_semaphore(%run_scoped3A_93 : memref<!tpu.dma_semaphore, #tpu.memory_space<semaphore_mem>>)
          %dma_wait3A_104 = arith.constant 0 : i32
          %dma_wait3A_105 = arith.constant 0 : i32
          %dma_wait3A_106 = tpu.memref_slice %arg9[%dma_wait3A_104, %dma_wait3A_105] : memref<80x128xf32, #tpu.memory_space<vmem>> -> memref<80x128xf32, #tpu.memory_space<vmem>>
          %dma_wait3A_107 = arith.constant 0 : i32
          %dma_wait3A_108 = tpu.memref_slice %arg6[%mul3A_89, %dma_wait3A_107] : memref<10000x128xf32, #tpu.memory_space<vmem_shared>> -> memref<80x128xf32, #tpu.memory_space<vmem_shared>>
          %dma_wait3A_109 = arith.constant 0 : i32
          %dma_wait3A_110 = arith.constant 0 : i32
          %dma_wait3A_111 = tpu.memref_slice %arg9[%dma_wait3A_109, %dma_wait3A_110] : memref<80x128xf32, #tpu.memory_space<vmem>> -> memref<80x128xf32, #tpu.memory_space<vmem>>
          %dma_wait3A_112 = arith.constant 0 : i32
          %dma_wait3A_113 = tpu.memref_slice %arg6[%mul3A_89, %dma_wait3A_112] : memref<10000x128xf32, #tpu.memory_space<vmem_shared>> -> memref<80x128xf32, #tpu.memory_space<vmem_shared>>
          tpu.wait_dma2 semaphore(%run_scoped3A_93 : memref<!tpu.dma_semaphore, #tpu.memory_space<semaphore_mem>>) src(%dma_wait3A_113 : memref<80x128xf32, #tpu.memory_space<vmem_shared>>) dst(%dma_wait3A_111 : memref<80x128xf32, #tpu.memory_space<vmem>>)
          tpu.yield
        }) : () -> ()
        %mul3A_90 = arith.constant 10000 : i32
        %mul3A_91 = arith.muli %arg0, %mul3A_90 : i32
        %add3A_92 = arith.addi %mul3A_91, %mul3A_89 : i32
        "tpu.region"() ({
          %run_scoped3A_93 = tpu.sem_alloc : memref<!tpu.dma_semaphore, #tpu.memory_space<semaphore_mem>>
          %dma_start3A_94 = arith.constant 0 : i32
          %dma_start3A_95 = arith.constant 0 : i32
          %dma_start3A_96 = tpu.memref_slice %arg9[%dma_start3A_94, %dma_start3A_95] : memref<80x128xf32, #tpu.memory_space<vmem>> -> memref<80x128xf32, #tpu.memory_space<vmem>>
          %dma_start3A_97 = arith.constant 0 : i32
          %dma_start3A_98 = tpu.memref_slice %arg5[%add3A_92, %dma_start3A_97] : memref<20000x128xf32, #tpu.memory_space<hbm>> -> memref<80x128xf32, #tpu.memory_space<hbm>>
          %dma_start3A_99 = arith.constant 0 : i32
          %dma_start3A_100 = tpu.memref_slice %arg5[%add3A_92, %dma_start3A_99] : memref<20000x128xf32, #tpu.memory_space<hbm>> -> memref<80x128xf32, #tpu.memory_space<hbm>>
          %dma_start3A_101 = arith.constant 0 : i32
          %dma_start3A_102 = arith.constant 0 : i32
          %dma_start3A_103 = tpu.memref_slice %arg9[%dma_start3A_101, %dma_start3A_102] : memref<80x128xf32, #tpu.memory_space<vmem>> -> memref<80x128xf32, #tpu.memory_space<vmem>>
          tpu.enqueue_dma source(%dma_start3A_103 : memref<80x128xf32, #tpu.memory_space<vmem>>) target(%dma_start3A_100 : memref<80x128xf32, #tpu.memory_space<hbm>>) target_semaphore(%run_scoped3A_93 : memref<!tpu.dma_semaphore, #tpu.memory_space<semaphore_mem>>)
          %dma_wait3A_104 = arith.constant 0 : i32
          %dma_wait3A_105 = arith.constant 0 : i32
          %dma_wait3A_106 = tpu.memref_slice %arg9[%dma_wait3A_104, %dma_wait3A_105] : memref<80x128xf32, #tpu.memory_space<vmem>> -> memref<80x128xf32, #tpu.memory_space<vmem>>
          %dma_wait3A_107 = arith.constant 0 : i32
          %dma_wait3A_108 = tpu.memref_slice %arg5[%add3A_92, %dma_wait3A_107] : memref<20000x128xf32, #tpu.memory_space<hbm>> -> memref<80x128xf32, #tpu.memory_space<hbm>>
          %dma_wait3A_109 = arith.constant 0 : i32
          %dma_wait3A_110 = tpu.memref_slice %arg5[%add3A_92, %dma_wait3A_109] : memref<20000x128xf32, #tpu.memory_space<hbm>> -> memref<80x128xf32, #tpu.memory_space<hbm>>
          %dma_wait3A_111 = arith.constant 0 : i32
          %dma_wait3A_112 = arith.constant 0 : i32
          %dma_wait3A_113 = tpu.memref_slice %arg9[%dma_wait3A_111, %dma_wait3A_112] : memref<80x128xf32, #tpu.memory_space<vmem>> -> memref<80x128xf32, #tpu.memory_space<vmem>>
          tpu.wait_dma2 semaphore(%run_scoped3A_93 : memref<!tpu.dma_semaphore, #tpu.memory_space<semaphore_mem>>) src(%dma_wait3A_113 : memref<80x128xf32, #tpu.memory_space<vmem>>) dst(%dma_wait3A_110 : memref<80x128xf32, #tpu.memory_space<hbm>>)
          tpu.yield
        }) : () -> ()
      } else {
      }
      %scan3A_87 = arith.constant 0 : i32
      scf.yield %scan3A_87 : i32
    }
    %scan3A_79 = arith.constant 8 : i32
    return
  }
}

#map = affine_map<(d0, d1) -> (0, 0)>
#map1 = affine_map<(d0, d1) -> (0, 0, 0)>
module attributes {stable_mosaic.version = 14 : i64} {
  func.func @seg_sum(%arg0: i32, %arg1: i32, %arg2: memref<10000x128xf32, #tpu.memory_space<hbm>>, %arg3: memref<32x10000xi32, #tpu.memory_space<hbm>>, %arg4: memref<32x125x80xi32, #tpu.memory_space<hbm>>, %arg5: memref<20000x128xf32, #tpu.memory_space<hbm>>, %arg6: memref<10000x128xf32, #tpu.memory_space<vmem_shared>>, %arg7: memref<10000xi32, #tpu.memory_space<vmem>>, %arg8: memref<125x80xi32, #tpu.memory_space<vmem>>, %arg9: memref<80x128xf32, #tpu.memory_space<vmem>>, %arg10: memref<80x128xf32, #tpu.memory_space<vmem>>, %arg11: memref<!tpu.dma_semaphore, #tpu.memory_space<semaphore_mem>>, %arg12: memref<!tpu.dma_semaphore, #tpu.memory_space<semaphore_mem>>, %arg13: memref<!tpu.dma_semaphore, #tpu.memory_space<semaphore_mem>>) attributes {dimension_semantics = [#tpu.dimension_semantics<core_parallel>, #tpu.dimension_semantics<subcore_parallel>], iteration_bounds = array<i64: 2, 16>, scalar_prefetch = 0 : i64, scratch_operands = 8 : i64, tpu.core_type = #tpu.core_type<sc_vector_subcore>, window_params = [{transform_indices = #map}, {transform_indices = #map}, {transform_indices = #map1}, {transform_indices = #map}]} {
    %mul3A = arith.constant 2 : i32
    %mul3A_0 = arith.muli %arg1, %mul3A : i32
    %add3A = arith.addi %mul3A_0, %arg0 : i32
    %dma_start3A = arith.constant 0 : i32
    %dma_start3A_1 = tpu.memref_slice %arg3[%add3A, %dma_start3A] : memref<32x10000xi32, #tpu.memory_space<hbm>> -> memref<1x10000xi32, #tpu.memory_space<hbm>>
    %dma_start3A_2 = tpu.memref_squeeze %dma_start3A_1 : memref<1x10000xi32, #tpu.memory_space<hbm>> -> memref<10000xi32, #tpu.memory_space<hbm>>
    %dma_start3A_3 = arith.constant 0 : i32
    %dma_start3A_4 = tpu.memref_slice %arg3[%add3A, %dma_start3A_3] : memref<32x10000xi32, #tpu.memory_space<hbm>> -> memref<1x10000xi32, #tpu.memory_space<hbm>>
    %dma_start3A_5 = tpu.memref_squeeze %dma_start3A_4 : memref<1x10000xi32, #tpu.memory_space<hbm>> -> memref<10000xi32, #tpu.memory_space<hbm>>
    tpu.enqueue_dma source(%dma_start3A_5 : memref<10000xi32, #tpu.memory_space<hbm>>) target(%arg7 : memref<10000xi32, #tpu.memory_space<vmem>>) target_semaphore(%arg13 : memref<!tpu.dma_semaphore, #tpu.memory_space<semaphore_mem>>)
    %dma_start3A_6 = arith.constant 0 : i32
    %dma_start3A_7 = arith.constant 0 : i32
    %dma_start3A_8 = tpu.memref_slice %arg4[%add3A, %dma_start3A_6, %dma_start3A_7] : memref<32x125x80xi32, #tpu.memory_space<hbm>> -> memref<1x125x80xi32, #tpu.memory_space<hbm>>
    %dma_start3A_9 = tpu.memref_squeeze %dma_start3A_8 : memref<1x125x80xi32, #tpu.memory_space<hbm>> -> memref<125x80xi32, #tpu.memory_space<hbm>>
    %dma_start3A_10 = arith.constant 0 : i32
    %dma_start3A_11 = arith.constant 0 : i32
    %dma_start3A_12 = tpu.memref_slice %arg4[%add3A, %dma_start3A_10, %dma_start3A_11] : memref<32x125x80xi32, #tpu.memory_space<hbm>> -> memref<1x125x80xi32, #tpu.memory_space<hbm>>
    %dma_start3A_13 = tpu.memref_squeeze %dma_start3A_12 : memref<1x125x80xi32, #tpu.memory_space<hbm>> -> memref<125x80xi32, #tpu.memory_space<hbm>>
    tpu.enqueue_dma source(%dma_start3A_13 : memref<125x80xi32, #tpu.memory_space<hbm>>) target(%arg8 : memref<125x80xi32, #tpu.memory_space<vmem>>) target_semaphore(%arg13 : memref<!tpu.dma_semaphore, #tpu.memory_space<semaphore_mem>>)
    %scan3A = arith.constant 0 : i32
    %scan3A_14 = arith.constant 0 : i32
    %scan3A_15 = arith.constant 8 : i32
    %scan3A_16 = arith.addi %scan3A_14, %scan3A_15 : i32
    %scan3A_17 = arith.constant 1 : i32
    %scan3A_18 = scf.for %scan3A_80 = %scan3A_14 to %scan3A_16 step %scan3A_17 iter_args(%scan3A_81 = %scan3A) -> (i32)  : i32 {
      %mul3A_82 = arith.constant 16 : i32
      %mul3A_83 = arith.muli %scan3A_80, %mul3A_82 : i32
      %add3A_84 = arith.addi %arg1, %mul3A_83 : i32
      %lt3A = arith.constant 125 : i32
      %lt3A_85 = arith.cmpi slt, %add3A_84, %lt3A : i32
      %convert_element_type3A = arith.extui %lt3A_85 : i1 to i32
      %cond3A = arith.constant 0 : i32
      %cond3A_86 = arith.cmpi ne, %convert_element_type3A, %cond3A : i32
      scf.if %cond3A_86 {
        %mul3A_88 = arith.constant 80 : i32
        %mul3A_89 = arith.muli %add3A_84, %mul3A_88 : i32
        "tpu.region"() ({
          %run_scoped3A_90 = tpu.sem_alloc : memref<!tpu.dma_semaphore, #tpu.memory_space<semaphore_mem>>
          %dma_start3A_91 = arith.constant 0 : i32
          %dma_start3A_92 = arith.constant 0 : i32
          %dma_start3A_93 = tpu.memref_slice %arg9[%dma_start3A_91, %dma_start3A_92] : memref<80x128xf32, #tpu.memory_space<vmem>> -> memref<80x128xf32, #tpu.memory_space<vmem>>
          %dma_start3A_94 = arith.constant 0 : i32
          %dma_start3A_95 = tpu.memref_slice %arg2[%mul3A_89, %dma_start3A_94] : memref<10000x128xf32, #tpu.memory_space<hbm>> -> memref<80x128xf32, #tpu.memory_space<hbm>>
          %dma_start3A_96 = arith.constant 0 : i32
          %dma_start3A_97 = arith.constant 0 : i32
          %dma_start3A_98 = tpu.memref_slice %arg9[%dma_start3A_96, %dma_start3A_97] : memref<80x128xf32, #tpu.memory_space<vmem>> -> memref<80x128xf32, #tpu.memory_space<vmem>>
          %dma_start3A_99 = arith.constant 0 : i32
          %dma_start3A_100 = tpu.memref_slice %arg2[%mul3A_89, %dma_start3A_99] : memref<10000x128xf32, #tpu.memory_space<hbm>> -> memref<80x128xf32, #tpu.memory_space<hbm>>
          tpu.enqueue_dma source(%dma_start3A_100 : memref<80x128xf32, #tpu.memory_space<hbm>>) target(%dma_start3A_98 : memref<80x128xf32, #tpu.memory_space<vmem>>) target_semaphore(%run_scoped3A_90 : memref<!tpu.dma_semaphore, #tpu.memory_space<semaphore_mem>>)
          %dma_wait3A_101 = arith.constant 0 : i32
          %dma_wait3A_102 = arith.constant 0 : i32
          %dma_wait3A_103 = tpu.memref_slice %arg9[%dma_wait3A_101, %dma_wait3A_102] : memref<80x128xf32, #tpu.memory_space<vmem>> -> memref<80x128xf32, #tpu.memory_space<vmem>>
          %dma_wait3A_104 = arith.constant 0 : i32
          %dma_wait3A_105 = tpu.memref_slice %arg2[%mul3A_89, %dma_wait3A_104] : memref<10000x128xf32, #tpu.memory_space<hbm>> -> memref<80x128xf32, #tpu.memory_space<hbm>>
          %dma_wait3A_106 = arith.constant 0 : i32
          %dma_wait3A_107 = arith.constant 0 : i32
          %dma_wait3A_108 = tpu.memref_slice %arg9[%dma_wait3A_106, %dma_wait3A_107] : memref<80x128xf32, #tpu.memory_space<vmem>> -> memref<80x128xf32, #tpu.memory_space<vmem>>
          %dma_wait3A_109 = arith.constant 0 : i32
          %dma_wait3A_110 = tpu.memref_slice %arg2[%mul3A_89, %dma_wait3A_109] : memref<10000x128xf32, #tpu.memory_space<hbm>> -> memref<80x128xf32, #tpu.memory_space<hbm>>
          tpu.wait_dma2 semaphore(%run_scoped3A_90 : memref<!tpu.dma_semaphore, #tpu.memory_space<semaphore_mem>>) src(%dma_wait3A_110 : memref<80x128xf32, #tpu.memory_space<hbm>>) dst(%dma_wait3A_108 : memref<80x128xf32, #tpu.memory_space<vmem>>)
          tpu.yield
        }) : () -> ()
        "tpu.region"() ({
          %run_scoped3A_90 = tpu.sem_alloc : memref<!tpu.dma_semaphore, #tpu.memory_space<semaphore_mem>>
          %dma_start3A_91 = arith.constant 0 : i32
          %dma_start3A_92 = arith.constant 0 : i32
          %dma_start3A_93 = tpu.memref_slice %arg9[%dma_start3A_91, %dma_start3A_92] : memref<80x128xf32, #tpu.memory_space<vmem>> -> memref<80x128xf32, #tpu.memory_space<vmem>>
          %dma_start3A_94 = arith.constant 0 : i32
          %dma_start3A_95 = tpu.memref_slice %arg6[%mul3A_89, %dma_start3A_94] : memref<10000x128xf32, #tpu.memory_space<vmem_shared>> -> memref<80x128xf32, #tpu.memory_space<vmem_shared>>
          %dma_start3A_96 = arith.constant 0 : i32
          %dma_start3A_97 = tpu.memref_slice %arg6[%mul3A_89, %dma_start3A_96] : memref<10000x128xf32, #tpu.memory_space<vmem_shared>> -> memref<80x128xf32, #tpu.memory_space<vmem_shared>>
          %dma_start3A_98 = arith.constant 0 : i32
          %dma_start3A_99 = arith.constant 0 : i32
          %dma_start3A_100 = tpu.memref_slice %arg9[%dma_start3A_98, %dma_start3A_99] : memref<80x128xf32, #tpu.memory_space<vmem>> -> memref<80x128xf32, #tpu.memory_space<vmem>>
          tpu.enqueue_dma source(%dma_start3A_100 : memref<80x128xf32, #tpu.memory_space<vmem>>) target(%dma_start3A_97 : memref<80x128xf32, #tpu.memory_space<vmem_shared>>) target_semaphore(%run_scoped3A_90 : memref<!tpu.dma_semaphore, #tpu.memory_space<semaphore_mem>>)
          %dma_wait3A_101 = arith.constant 0 : i32
          %dma_wait3A_102 = arith.constant 0 : i32
          %dma_wait3A_103 = tpu.memref_slice %arg9[%dma_wait3A_101, %dma_wait3A_102] : memref<80x128xf32, #tpu.memory_space<vmem>> -> memref<80x128xf32, #tpu.memory_space<vmem>>
          %dma_wait3A_104 = arith.constant 0 : i32
          %dma_wait3A_105 = tpu.memref_slice %arg6[%mul3A_89, %dma_wait3A_104] : memref<10000x128xf32, #tpu.memory_space<vmem_shared>> -> memref<80x128xf32, #tpu.memory_space<vmem_shared>>
          %dma_wait3A_106 = arith.constant 0 : i32
          %dma_wait3A_107 = tpu.memref_slice %arg6[%mul3A_89, %dma_wait3A_106] : memref<10000x128xf32, #tpu.memory_space<vmem_shared>> -> memref<80x128xf32, #tpu.memory_space<vmem_shared>>
          %dma_wait3A_108 = arith.constant 0 : i32
          %dma_wait3A_109 = arith.constant 0 : i32
          %dma_wait3A_110 = tpu.memref_slice %arg9[%dma_wait3A_108, %dma_wait3A_109] : memref<80x128xf32, #tpu.memory_space<vmem>> -> memref<80x128xf32, #tpu.memory_space<vmem>>
          tpu.wait_dma2 semaphore(%run_scoped3A_90 : memref<!tpu.dma_semaphore, #tpu.memory_space<semaphore_mem>>) src(%dma_wait3A_110 : memref<80x128xf32, #tpu.memory_space<vmem>>) dst(%dma_wait3A_107 : memref<80x128xf32, #tpu.memory_space<vmem_shared>>)
          tpu.yield
        }) : () -> ()
      } else {
      }
      %scan3A_87 = arith.constant 0 : i32
      scf.yield %scan3A_87 : i32
    }
    %scan3A_19 = arith.constant 8 : i32
    %dma_wait3A = arith.constant 0 : i32
    %dma_wait3A_20 = tpu.memref_slice %arg3[%add3A, %dma_wait3A] : memref<32x10000xi32, #tpu.memory_space<hbm>> -> memref<1x10000xi32, #tpu.memory_space<hbm>>
    %dma_wait3A_21 = tpu.memref_squeeze %dma_wait3A_20 : memref<1x10000xi32, #tpu.memory_space<hbm>> -> memref<10000xi32, #tpu.memory_space<hbm>>
    %dma_wait3A_22 = arith.constant 0 : i32
    %dma_wait3A_23 = tpu.memref_slice %arg3[%add3A, %dma_wait3A_22] : memref<32x10000xi32, #tpu.memory_space<hbm>> -> memref<1x10000xi32, #tpu.memory_space<hbm>>
    %dma_wait3A_24 = tpu.memref_squeeze %dma_wait3A_23 : memref<1x10000xi32, #tpu.memory_space<hbm>> -> memref<10000xi32, #tpu.memory_space<hbm>>
    tpu.wait_dma2 semaphore(%arg13 : memref<!tpu.dma_semaphore, #tpu.memory_space<semaphore_mem>>) src(%dma_wait3A_24 : memref<10000xi32, #tpu.memory_space<hbm>>) dst(%arg7 : memref<10000xi32, #tpu.memory_space<vmem>>)
    %dma_wait3A_25 = arith.constant 0 : i32
    %dma_wait3A_26 = arith.constant 0 : i32
    %dma_wait3A_27 = tpu.memref_slice %arg4[%add3A, %dma_wait3A_25, %dma_wait3A_26] : memref<32x125x80xi32, #tpu.memory_space<hbm>> -> memref<1x125x80xi32, #tpu.memory_space<hbm>>
    %dma_wait3A_28 = tpu.memref_squeeze %dma_wait3A_27 : memref<1x125x80xi32, #tpu.memory_space<hbm>> -> memref<125x80xi32, #tpu.memory_space<hbm>>
    %dma_wait3A_29 = arith.constant 0 : i32
    %dma_wait3A_30 = arith.constant 0 : i32
    %dma_wait3A_31 = tpu.memref_slice %arg4[%add3A, %dma_wait3A_29, %dma_wait3A_30] : memref<32x125x80xi32, #tpu.memory_space<hbm>> -> memref<1x125x80xi32, #tpu.memory_space<hbm>>
    %dma_wait3A_32 = tpu.memref_squeeze %dma_wait3A_31 : memref<1x125x80xi32, #tpu.memory_space<hbm>> -> memref<125x80xi32, #tpu.memory_space<hbm>>
    tpu.wait_dma2 semaphore(%arg13 : memref<!tpu.dma_semaphore, #tpu.memory_space<semaphore_mem>>) src(%dma_wait3A_32 : memref<125x80xi32, #tpu.memory_space<hbm>>) dst(%arg8 : memref<125x80xi32, #tpu.memory_space<vmem>>)
    %barrier3A = arith.constant 0 : index
    tpu.barrier barrier_id(%barrier3A)
    %dma_start3A_33 = arith.constant 0 : i32
    %dma_start3A_34 = tpu.memref_slice %arg7[%dma_start3A_33] : memref<10000xi32, #tpu.memory_space<vmem>> -> memref<80xi32, #tpu.memory_space<vmem>>
    %dma_start3A_35 = arith.constant 0 : i32
    %dma_start3A_36 = arith.constant 0 : i32
    %dma_start3A_37 = tpu.memref_slice %arg2[%dma_start3A_35, %dma_start3A_36] : memref<10000x128xf32, #tpu.memory_space<hbm>> -> memref<10000x128xf32, #tpu.memory_space<hbm>>
    tpu.enqueue_indirect_dma source(%dma_start3A_37 : memref<10000x128xf32, #tpu.memory_space<hbm>>) target(%arg9 : memref<80x128xf32, #tpu.memory_space<vmem>>) offsets(%dma_start3A_34 : memref<80xi32, #tpu.memory_space<vmem>>) semaphore(%arg11 : memref<!tpu.dma_semaphore, #tpu.memory_space<semaphore_mem>>)
    %dma_start3A_38 = arith.constant 80 : i32
    %dma_start3A_39 = tpu.memref_slice %arg7[%dma_start3A_38] : memref<10000xi32, #tpu.memory_space<vmem>> -> memref<80xi32, #tpu.memory_space<vmem>>
    %dma_start3A_40 = arith.constant 0 : i32
    %dma_start3A_41 = arith.constant 0 : i32
    %dma_start3A_42 = tpu.memref_slice %arg2[%dma_start3A_40, %dma_start3A_41] : memref<10000x128xf32, #tpu.memory_space<hbm>> -> memref<10000x128xf32, #tpu.memory_space<hbm>>
    tpu.enqueue_indirect_dma source(%dma_start3A_42 : memref<10000x128xf32, #tpu.memory_space<hbm>>) target(%arg10 : memref<80x128xf32, #tpu.memory_space<vmem>>) offsets(%dma_start3A_39 : memref<80xi32, #tpu.memory_space<vmem>>) semaphore(%arg12 : memref<!tpu.dma_semaphore, #tpu.memory_space<semaphore_mem>>)
    %scan3A_43 = arith.constant 0 : i32
    %scan3A_44 = arith.constant 0 : i32
    %scan3A_45 = arith.constant 61 : i32
    %scan3A_46 = arith.addi %scan3A_44, %scan3A_45 : i32
    %scan3A_47 = arith.constant 1 : i32
    %scan3A_48 = scf.for %scan3A_80 = %scan3A_44 to %scan3A_46 step %scan3A_47 iter_args(%scan3A_81 = %scan3A_43) -> (i32)  : i32 {
      %mul3A_82 = arith.constant 2 : i32
      %mul3A_83 = arith.muli %mul3A_82, %scan3A_80 : i32
      %dma_wait3A_84 = arith.constant 0 : i32
      %dma_wait3A_85 = tpu.memref_slice %arg7[%dma_wait3A_84] : memref<10000xi32, #tpu.memory_space<vmem>> -> memref<80xi32, #tpu.memory_space<vmem>>
      %dma_wait3A_86 = arith.constant 0 : i32
      %dma_wait3A_87 = arith.constant 0 : i32
      %dma_wait3A_88 = tpu.memref_slice %arg2[%dma_wait3A_86, %dma_wait3A_87] : memref<10000x128xf32, #tpu.memory_space<hbm>> -> memref<10000x128xf32, #tpu.memory_space<hbm>>
      tpu.wait_indirect_dma semaphore(%arg11 : memref<!tpu.dma_semaphore, #tpu.memory_space<semaphore_mem>>) src(%dma_wait3A_88 : memref<10000x128xf32, #tpu.memory_space<hbm>>) dst(%arg9 : memref<80x128xf32, #tpu.memory_space<vmem>>)
      %add3A_89 = arith.constant 0 : i32
      %add3A_90 = arith.addi %mul3A_83, %add3A_89 : i32
      "tpu.region"() ({
        %run_scoped3A_119 = tpu.sem_alloc : memref<!tpu.dma_semaphore, #tpu.memory_space<semaphore_mem>>
        %dma_start3A_120 = arith.constant 0 : i32
        %dma_start3A_121 = tpu.memref_slice %arg8[%add3A_90, %dma_start3A_120] : memref<125x80xi32, #tpu.memory_space<vmem>> -> memref<1x80xi32, #tpu.memory_space<vmem>>
        %dma_start3A_122 = tpu.memref_squeeze %dma_start3A_121 : memref<1x80xi32, #tpu.memory_space<vmem>> -> memref<80xi32, #tpu.memory_space<vmem>>
        %dma_start3A_123 = arith.constant 0 : i32
        %dma_start3A_124 = arith.constant 0 : i32
        %dma_start3A_125 = tpu.memref_slice %arg6[%dma_start3A_123, %dma_start3A_124] : memref<10000x128xf32, #tpu.memory_space<vmem_shared>> -> memref<10000x128xf32, #tpu.memory_space<vmem_shared>>
        tpu.enqueue_indirect_dma source(%arg9 : memref<80x128xf32, #tpu.memory_space<vmem>>) target(%dma_start3A_125 : memref<10000x128xf32, #tpu.memory_space<vmem_shared>>) offsets(%dma_start3A_122 : memref<80xi32, #tpu.memory_space<vmem>>) semaphore(%run_scoped3A_119 : memref<!tpu.dma_semaphore, #tpu.memory_space<semaphore_mem>>) {add = true}
        %dma_wait3A_126 = arith.constant 0 : i32
        %dma_wait3A_127 = tpu.memref_slice %arg8[%add3A_90, %dma_wait3A_126] : memref<125x80xi32, #tpu.memory_space<vmem>> -> memref<1x80xi32, #tpu.memory_space<vmem>>
        %dma_wait3A_128 = tpu.memref_squeeze %dma_wait3A_127 : memref<1x80xi32, #tpu.memory_space<vmem>> -> memref<80xi32, #tpu.memory_space<vmem>>
        %dma_wait3A_129 = arith.constant 0 : i32
        %dma_wait3A_130 = arith.constant 0 : i32
        %dma_wait3A_131 = tpu.memref_slice %arg6[%dma_wait3A_129, %dma_wait3A_130] : memref<10000x128xf32, #tpu.memory_space<vmem_shared>> -> memref<10000x128xf32, #tpu.memory_space<vmem_shared>>
        tpu.wait_indirect_dma semaphore(%run_scoped3A_119 : memref<!tpu.dma_semaphore, #tpu.memory_space<semaphore_mem>>) src(%arg9 : memref<80x128xf32, #tpu.memory_space<vmem>>) dst(%dma_wait3A_131 : memref<10000x128xf32, #tpu.memory_space<vmem_shared>>)
        tpu.yield
      }) : () -> ()
      %add3A_91 = arith.constant 0 : i32
      %add3A_92 = arith.addi %mul3A_83, %add3A_91 : i32
      %add3A_93 = arith.constant 2 : i32
      %add3A_94 = arith.addi %add3A_92, %add3A_93 : i32
      %mul3A_95 = arith.constant 80 : i32
      %mul3A_96 = arith.muli %add3A_94, %mul3A_95 : i32
      %dma_start3A_97 = tpu.memref_slice %arg7[%mul3A_96] : memref<10000xi32, #tpu.memory_space<vmem>> -> memref<80xi32, #tpu.memory_space<vmem>>
      %dma_start3A_98 = arith.constant 0 : i32
      %dma_start3A_99 = arith.constant 0 : i32
      %dma_start3A_100 = tpu.memref_slice %arg2[%dma_start3A_98, %dma_start3A_99] : memref<10000x128xf32, #tpu.memory_space<hbm>> -> memref<10000x128xf32, #tpu.memory_space<hbm>>
      tpu.enqueue_indirect_dma source(%dma_start3A_100 : memref<10000x128xf32, #tpu.memory_space<hbm>>) target(%arg9 : memref<80x128xf32, #tpu.memory_space<vmem>>) offsets(%dma_start3A_97 : memref<80xi32, #tpu.memory_space<vmem>>) semaphore(%arg11 : memref<!tpu.dma_semaphore, #tpu.memory_space<semaphore_mem>>)
      %dma_wait3A_101 = arith.constant 0 : i32
      %dma_wait3A_102 = tpu.memref_slice %arg7[%dma_wait3A_101] : memref<10000xi32, #tpu.memory_space<vmem>> -> memref<80xi32, #tpu.memory_space<vmem>>
      %dma_wait3A_103 = arith.constant 0 : i32
      %dma_wait3A_104 = arith.constant 0 : i32
      %dma_wait3A_105 = tpu.memref_slice %arg2[%dma_wait3A_103, %dma_wait3A_104] : memref<10000x128xf32, #tpu.memory_space<hbm>> -> memref<10000x128xf32, #tpu.memory_space<hbm>>
      tpu.wait_indirect_dma semaphore(%arg12 : memref<!tpu.dma_semaphore, #tpu.memory_space<semaphore_mem>>) src(%dma_wait3A_105 : memref<10000x128xf32, #tpu.memory_space<hbm>>) dst(%arg10 : memref<80x128xf32, #tpu.memory_space<vmem>>)
      %add3A_106 = arith.constant 1 : i32
      %add3A_107 = arith.addi %mul3A_83, %add3A_106 : i32
      "tpu.region"() ({
        %run_scoped3A_119 = tpu.sem_alloc : memref<!tpu.dma_semaphore, #tpu.memory_space<semaphore_mem>>
        %dma_start3A_120 = arith.constant 0 : i32
        %dma_start3A_121 = tpu.memref_slice %arg8[%add3A_107, %dma_start3A_120] : memref<125x80xi32, #tpu.memory_space<vmem>> -> memref<1x80xi32, #tpu.memory_space<vmem>>
        %dma_start3A_122 = tpu.memref_squeeze %dma_start3A_121 : memref<1x80xi32, #tpu.memory_space<vmem>> -> memref<80xi32, #tpu.memory_space<vmem>>
        %dma_start3A_123 = arith.constant 0 : i32
        %dma_start3A_124 = arith.constant 0 : i32
        %dma_start3A_125 = tpu.memref_slice %arg6[%dma_start3A_123, %dma_start3A_124] : memref<10000x128xf32, #tpu.memory_space<vmem_shared>> -> memref<10000x128xf32, #tpu.memory_space<vmem_shared>>
        tpu.enqueue_indirect_dma source(%arg10 : memref<80x128xf32, #tpu.memory_space<vmem>>) target(%dma_start3A_125 : memref<10000x128xf32, #tpu.memory_space<vmem_shared>>) offsets(%dma_start3A_122 : memref<80xi32, #tpu.memory_space<vmem>>) semaphore(%run_scoped3A_119 : memref<!tpu.dma_semaphore, #tpu.memory_space<semaphore_mem>>) {add = true}
        %dma_wait3A_126 = arith.constant 0 : i32
        %dma_wait3A_127 = tpu.memref_slice %arg8[%add3A_107, %dma_wait3A_126] : memref<125x80xi32, #tpu.memory_space<vmem>> -> memref<1x80xi32, #tpu.memory_space<vmem>>
        %dma_wait3A_128 = tpu.memref_squeeze %dma_wait3A_127 : memref<1x80xi32, #tpu.memory_space<vmem>> -> memref<80xi32, #tpu.memory_space<vmem>>
        %dma_wait3A_129 = arith.constant 0 : i32
        %dma_wait3A_130 = arith.constant 0 : i32
        %dma_wait3A_131 = tpu.memref_slice %arg6[%dma_wait3A_129, %dma_wait3A_130] : memref<10000x128xf32, #tpu.memory_space<vmem_shared>> -> memref<10000x128xf32, #tpu.memory_space<vmem_shared>>
        tpu.wait_indirect_dma semaphore(%run_scoped3A_119 : memref<!tpu.dma_semaphore, #tpu.memory_space<semaphore_mem>>) src(%arg10 : memref<80x128xf32, #tpu.memory_space<vmem>>) dst(%dma_wait3A_131 : memref<10000x128xf32, #tpu.memory_space<vmem_shared>>)
        tpu.yield
      }) : () -> ()
      %add3A_108 = arith.constant 1 : i32
      %add3A_109 = arith.addi %mul3A_83, %add3A_108 : i32
      %add3A_110 = arith.constant 2 : i32
      %add3A_111 = arith.addi %add3A_109, %add3A_110 : i32
      %mul3A_112 = arith.constant 80 : i32
      %mul3A_113 = arith.muli %add3A_111, %mul3A_112 : i32
      %dma_start3A_114 = tpu.memref_slice %arg7[%mul3A_113] : memref<10000xi32, #tpu.memory_space<vmem>> -> memref<80xi32, #tpu.memory_space<vmem>>
      %dma_start3A_115 = arith.constant 0 : i32
      %dma_start3A_116 = arith.constant 0 : i32
      %dma_start3A_117 = tpu.memref_slice %arg2[%dma_start3A_115, %dma_start3A_116] : memref<10000x128xf32, #tpu.memory_space<hbm>> -> memref<10000x128xf32, #tpu.memory_space<hbm>>
      tpu.enqueue_indirect_dma source(%dma_start3A_117 : memref<10000x128xf32, #tpu.memory_space<hbm>>) target(%arg10 : memref<80x128xf32, #tpu.memory_space<vmem>>) offsets(%dma_start3A_114 : memref<80xi32, #tpu.memory_space<vmem>>) semaphore(%arg12 : memref<!tpu.dma_semaphore, #tpu.memory_space<semaphore_mem>>)
      %scan3A_118 = arith.constant 0 : i32
      scf.yield %scan3A_118 : i32
    }
    %scan3A_49 = arith.constant 61 : i32
    %dma_wait3A_50 = arith.constant 0 : i32
    %dma_wait3A_51 = tpu.memref_slice %arg7[%dma_wait3A_50] : memref<10000xi32, #tpu.memory_space<vmem>> -> memref<80xi32, #tpu.memory_space<vmem>>
    %dma_wait3A_52 = arith.constant 0 : i32
    %dma_wait3A_53 = arith.constant 0 : i32
    %dma_wait3A_54 = tpu.memref_slice %arg2[%dma_wait3A_52, %dma_wait3A_53] : memref<10000x128xf32, #tpu.memory_space<hbm>> -> memref<10000x128xf32, #tpu.memory_space<hbm>>
    tpu.wait_indirect_dma semaphore(%arg11 : memref<!tpu.dma_semaphore, #tpu.memory_space<semaphore_mem>>) src(%dma_wait3A_54 : memref<10000x128xf32, #tpu.memory_space<hbm>>) dst(%arg9 : memref<80x128xf32, #tpu.memory_space<vmem>>)
    %run_scoped3A = arith.constant 122 : i32
    "tpu.region"() ({
      %run_scoped3A_80 = tpu.sem_alloc : memref<!tpu.dma_semaphore, #tpu.memory_space<semaphore_mem>>
      %dma_start3A_81 = arith.constant 0 : i32
      %dma_start3A_82 = tpu.memref_slice %arg8[%run_scoped3A, %dma_start3A_81] : memref<125x80xi32, #tpu.memory_space<vmem>> -> memref<1x80xi32, #tpu.memory_space<vmem>>
      %dma_start3A_83 = tpu.memref_squeeze %dma_start3A_82 : memref<1x80xi32, #tpu.memory_space<vmem>> -> memref<80xi32, #tpu.memory_space<vmem>>
      %dma_start3A_84 = arith.constant 0 : i32
      %dma_start3A_85 = arith.constant 0 : i32
      %dma_start3A_86 = tpu.memref_slice %arg6[%dma_start3A_84, %dma_start3A_85] : memref<10000x128xf32, #tpu.memory_space<vmem_shared>> -> memref<10000x128xf32, #tpu.memory_space<vmem_shared>>
      tpu.enqueue_indirect_dma source(%arg9 : memref<80x128xf32, #tpu.memory_space<vmem>>) target(%dma_start3A_86 : memref<10000x128xf32, #tpu.memory_space<vmem_shared>>) offsets(%dma_start3A_83 : memref<80xi32, #tpu.memory_space<vmem>>) semaphore(%run_scoped3A_80 : memref<!tpu.dma_semaphore, #tpu.memory_space<semaphore_mem>>) {add = true}
      %dma_wait3A_87 = arith.constant 0 : i32
      %dma_wait3A_88 = tpu.memref_slice %arg8[%run_scoped3A, %dma_wait3A_87] : memref<125x80xi32, #tpu.memory_space<vmem>> -> memref<1x80xi32, #tpu.memory_space<vmem>>
      %dma_wait3A_89 = tpu.memref_squeeze %dma_wait3A_88 : memref<1x80xi32, #tpu.memory_space<vmem>> -> memref<80xi32, #tpu.memory_space<vmem>>
      %dma_wait3A_90 = arith.constant 0 : i32
      %dma_wait3A_91 = arith.constant 0 : i32
      %dma_wait3A_92 = tpu.memref_slice %arg6[%dma_wait3A_90, %dma_wait3A_91] : memref<10000x128xf32, #tpu.memory_space<vmem_shared>> -> memref<10000x128xf32, #tpu.memory_space<vmem_shared>>
      tpu.wait_indirect_dma semaphore(%run_scoped3A_80 : memref<!tpu.dma_semaphore, #tpu.memory_space<semaphore_mem>>) src(%arg9 : memref<80x128xf32, #tpu.memory_space<vmem>>) dst(%dma_wait3A_92 : memref<10000x128xf32, #tpu.memory_space<vmem_shared>>)
      tpu.yield
    }) : () -> ()
    %dma_start3A_55 = arith.constant 9920 : i32
    %dma_start3A_56 = tpu.memref_slice %arg7[%dma_start3A_55] : memref<10000xi32, #tpu.memory_space<vmem>> -> memref<80xi32, #tpu.memory_space<vmem>>
    %dma_start3A_57 = arith.constant 0 : i32
    %dma_start3A_58 = arith.constant 0 : i32
    %dma_start3A_59 = tpu.memref_slice %arg2[%dma_start3A_57, %dma_start3A_58] : memref<10000x128xf32, #tpu.memory_space<hbm>> -> memref<10000x128xf32, #tpu.memory_space<hbm>>
    tpu.enqueue_indirect_dma source(%dma_start3A_59 : memref<10000x128xf32, #tpu.memory_space<hbm>>) target(%arg9 : memref<80x128xf32, #tpu.memory_space<vmem>>) offsets(%dma_start3A_56 : memref<80xi32, #tpu.memory_space<vmem>>) semaphore(%arg11 : memref<!tpu.dma_semaphore, #tpu.memory_space<semaphore_mem>>)
    %dma_wait3A_60 = arith.constant 0 : i32
    %dma_wait3A_61 = tpu.memref_slice %arg7[%dma_wait3A_60] : memref<10000xi32, #tpu.memory_space<vmem>> -> memref<80xi32, #tpu.memory_space<vmem>>
    %dma_wait3A_62 = arith.constant 0 : i32
    %dma_wait3A_63 = arith.constant 0 : i32
    %dma_wait3A_64 = tpu.memref_slice %arg2[%dma_wait3A_62, %dma_wait3A_63] : memref<10000x128xf32, #tpu.memory_space<hbm>> -> memref<10000x128xf32, #tpu.memory_space<hbm>>
    tpu.wait_indirect_dma semaphore(%arg12 : memref<!tpu.dma_semaphore, #tpu.memory_space<semaphore_mem>>) src(%dma_wait3A_64 : memref<10000x128xf32, #tpu.memory_space<hbm>>) dst(%arg10 : memref<80x128xf32, #tpu.memory_space<vmem>>)
    %run_scoped3A_65 = arith.constant 123 : i32
    "tpu.region"() ({
      %run_scoped3A_80 = tpu.sem_alloc : memref<!tpu.dma_semaphore, #tpu.memory_space<semaphore_mem>>
      %dma_start3A_81 = arith.constant 0 : i32
      %dma_start3A_82 = tpu.memref_slice %arg8[%run_scoped3A_65, %dma_start3A_81] : memref<125x80xi32, #tpu.memory_space<vmem>> -> memref<1x80xi32, #tpu.memory_space<vmem>>
      %dma_start3A_83 = tpu.memref_squeeze %dma_start3A_82 : memref<1x80xi32, #tpu.memory_space<vmem>> -> memref<80xi32, #tpu.memory_space<vmem>>
      %dma_start3A_84 = arith.constant 0 : i32
      %dma_start3A_85 = arith.constant 0 : i32
      %dma_start3A_86 = tpu.memref_slice %arg6[%dma_start3A_84, %dma_start3A_85] : memref<10000x128xf32, #tpu.memory_space<vmem_shared>> -> memref<10000x128xf32, #tpu.memory_space<vmem_shared>>
      tpu.enqueue_indirect_dma source(%arg10 : memref<80x128xf32, #tpu.memory_space<vmem>>) target(%dma_start3A_86 : memref<10000x128xf32, #tpu.memory_space<vmem_shared>>) offsets(%dma_start3A_83 : memref<80xi32, #tpu.memory_space<vmem>>) semaphore(%run_scoped3A_80 : memref<!tpu.dma_semaphore, #tpu.memory_space<semaphore_mem>>) {add = true}
      %dma_wait3A_87 = arith.constant 0 : i32
      %dma_wait3A_88 = tpu.memref_slice %arg8[%run_scoped3A_65, %dma_wait3A_87] : memref<125x80xi32, #tpu.memory_space<vmem>> -> memref<1x80xi32, #tpu.memory_space<vmem>>
      %dma_wait3A_89 = tpu.memref_squeeze %dma_wait3A_88 : memref<1x80xi32, #tpu.memory_space<vmem>> -> memref<80xi32, #tpu.memory_space<vmem>>
      %dma_wait3A_90 = arith.constant 0 : i32
      %dma_wait3A_91 = arith.constant 0 : i32
      %dma_wait3A_92 = tpu.memref_slice %arg6[%dma_wait3A_90, %dma_wait3A_91] : memref<10000x128xf32, #tpu.memory_space<vmem_shared>> -> memref<10000x128xf32, #tpu.memory_space<vmem_shared>>
      tpu.wait_indirect_dma semaphore(%run_scoped3A_80 : memref<!tpu.dma_semaphore, #tpu.memory_space<semaphore_mem>>) src(%arg10 : memref<80x128xf32, #tpu.memory_space<vmem>>) dst(%dma_wait3A_92 : memref<10000x128xf32, #tpu.memory_space<vmem_shared>>)
      tpu.yield
    }) : () -> ()
    %dma_wait3A_66 = arith.constant 0 : i32
    %dma_wait3A_67 = tpu.memref_slice %arg7[%dma_wait3A_66] : memref<10000xi32, #tpu.memory_space<vmem>> -> memref<80xi32, #tpu.memory_space<vmem>>
    %dma_wait3A_68 = arith.constant 0 : i32
    %dma_wait3A_69 = arith.constant 0 : i32
    %dma_wait3A_70 = tpu.memref_slice %arg2[%dma_wait3A_68, %dma_wait3A_69] : memref<10000x128xf32, #tpu.memory_space<hbm>> -> memref<10000x128xf32, #tpu.memory_space<hbm>>
    tpu.wait_indirect_dma semaphore(%arg11 : memref<!tpu.dma_semaphore, #tpu.memory_space<semaphore_mem>>) src(%dma_wait3A_70 : memref<10000x128xf32, #tpu.memory_space<hbm>>) dst(%arg9 : memref<80x128xf32, #tpu.memory_space<vmem>>)
    %run_scoped3A_71 = arith.constant 124 : i32
    "tpu.region"() ({
      %run_scoped3A_80 = tpu.sem_alloc : memref<!tpu.dma_semaphore, #tpu.memory_space<semaphore_mem>>
      %dma_start3A_81 = arith.constant 0 : i32
      %dma_start3A_82 = tpu.memref_slice %arg8[%run_scoped3A_71, %dma_start3A_81] : memref<125x80xi32, #tpu.memory_space<vmem>> -> memref<1x80xi32, #tpu.memory_space<vmem>>
      %dma_start3A_83 = tpu.memref_squeeze %dma_start3A_82 : memref<1x80xi32, #tpu.memory_space<vmem>> -> memref<80xi32, #tpu.memory_space<vmem>>
      %dma_start3A_84 = arith.constant 0 : i32
      %dma_start3A_85 = arith.constant 0 : i32
      %dma_start3A_86 = tpu.memref_slice %arg6[%dma_start3A_84, %dma_start3A_85] : memref<10000x128xf32, #tpu.memory_space<vmem_shared>> -> memref<10000x128xf32, #tpu.memory_space<vmem_shared>>
      tpu.enqueue_indirect_dma source(%arg9 : memref<80x128xf32, #tpu.memory_space<vmem>>) target(%dma_start3A_86 : memref<10000x128xf32, #tpu.memory_space<vmem_shared>>) offsets(%dma_start3A_83 : memref<80xi32, #tpu.memory_space<vmem>>) semaphore(%run_scoped3A_80 : memref<!tpu.dma_semaphore, #tpu.memory_space<semaphore_mem>>) {add = true}
      %dma_wait3A_87 = arith.constant 0 : i32
      %dma_wait3A_88 = tpu.memref_slice %arg8[%run_scoped3A_71, %dma_wait3A_87] : memref<125x80xi32, #tpu.memory_space<vmem>> -> memref<1x80xi32, #tpu.memory_space<vmem>>
      %dma_wait3A_89 = tpu.memref_squeeze %dma_wait3A_88 : memref<1x80xi32, #tpu.memory_space<vmem>> -> memref<80xi32, #tpu.memory_space<vmem>>
      %dma_wait3A_90 = arith.constant 0 : i32
      %dma_wait3A_91 = arith.constant 0 : i32
      %dma_wait3A_92 = tpu.memref_slice %arg6[%dma_wait3A_90, %dma_wait3A_91] : memref<10000x128xf32, #tpu.memory_space<vmem_shared>> -> memref<10000x128xf32, #tpu.memory_space<vmem_shared>>
      tpu.wait_indirect_dma semaphore(%run_scoped3A_80 : memref<!tpu.dma_semaphore, #tpu.memory_space<semaphore_mem>>) src(%arg9 : memref<80x128xf32, #tpu.memory_space<vmem>>) dst(%dma_wait3A_92 : memref<10000x128xf32, #tpu.memory_space<vmem_shared>>)
      tpu.yield
    }) : () -> ()
    %barrier3A_72 = arith.constant 0 : index
    tpu.barrier barrier_id(%barrier3A_72)
    %scan3A_73 = arith.constant 0 : i32
    %scan3A_74 = arith.constant 0 : i32
    %scan3A_75 = arith.constant 8 : i32
    %scan3A_76 = arith.addi %scan3A_74, %scan3A_75 : i32
    %scan3A_77 = arith.constant 1 : i32
    %scan3A_78 = scf.for %scan3A_80 = %scan3A_74 to %scan3A_76 step %scan3A_77 iter_args(%scan3A_81 = %scan3A_73) -> (i32)  : i32 {
      %mul3A_82 = arith.constant 16 : i32
      %mul3A_83 = arith.muli %scan3A_80, %mul3A_82 : i32
      %add3A_84 = arith.addi %arg1, %mul3A_83 : i32
      %lt3A = arith.constant 125 : i32
      %lt3A_85 = arith.cmpi slt, %add3A_84, %lt3A : i32
      %convert_element_type3A = arith.extui %lt3A_85 : i1 to i32
      %cond3A = arith.constant 0 : i32
      %cond3A_86 = arith.cmpi ne, %convert_element_type3A, %cond3A : i32
      scf.if %cond3A_86 {
        %mul3A_88 = arith.constant 80 : i32
        %mul3A_89 = arith.muli %add3A_84, %mul3A_88 : i32
        "tpu.region"() ({
          %run_scoped3A_93 = tpu.sem_alloc : memref<!tpu.dma_semaphore, #tpu.memory_space<semaphore_mem>>
          %dma_start3A_94 = arith.constant 0 : i32
          %dma_start3A_95 = arith.constant 0 : i32
          %dma_start3A_96 = tpu.memref_slice %arg9[%dma_start3A_94, %dma_start3A_95] : memref<80x128xf32, #tpu.memory_space<vmem>> -> memref<80x128xf32, #tpu.memory_space<vmem>>
          %dma_start3A_97 = arith.constant 0 : i32
          %dma_start3A_98 = tpu.memref_slice %arg6[%mul3A_89, %dma_start3A_97] : memref<10000x128xf32, #tpu.memory_space<vmem_shared>> -> memref<80x128xf32, #tpu.memory_space<vmem_shared>>
          %dma_start3A_99 = arith.constant 0 : i32
          %dma_start3A_100 = arith.constant 0 : i32
          %dma_start3A_101 = tpu.memref_slice %arg9[%dma_start3A_99, %dma_start3A_100] : memref<80x128xf32, #tpu.memory_space<vmem>> -> memref<80x128xf32, #tpu.memory_space<vmem>>
          %dma_start3A_102 = arith.constant 0 : i32
          %dma_start3A_103 = tpu.memref_slice %arg6[%mul3A_89, %dma_start3A_102] : memref<10000x128xf32, #tpu.memory_space<vmem_shared>> -> memref<80x128xf32, #tpu.memory_space<vmem_shared>>
          tpu.enqueue_dma source(%dma_start3A_103 : memref<80x128xf32, #tpu.memory_space<vmem_shared>>) target(%dma_start3A_101 : memref<80x128xf32, #tpu.memory_space<vmem>>) target_semaphore(%run_scoped3A_93 : memref<!tpu.dma_semaphore, #tpu.memory_space<semaphore_mem>>)
          %dma_wait3A_104 = arith.constant 0 : i32
          %dma_wait3A_105 = arith.constant 0 : i32
          %dma_wait3A_106 = tpu.memref_slice %arg9[%dma_wait3A_104, %dma_wait3A_105] : memref<80x128xf32, #tpu.memory_space<vmem>> -> memref<80x128xf32, #tpu.memory_space<vmem>>
          %dma_wait3A_107 = arith.constant 0 : i32
          %dma_wait3A_108 = tpu.memref_slice %arg6[%mul3A_89, %dma_wait3A_107] : memref<10000x128xf32, #tpu.memory_space<vmem_shared>> -> memref<80x128xf32, #tpu.memory_space<vmem_shared>>
          %dma_wait3A_109 = arith.constant 0 : i32
          %dma_wait3A_110 = arith.constant 0 : i32
          %dma_wait3A_111 = tpu.memref_slice %arg9[%dma_wait3A_109, %dma_wait3A_110] : memref<80x128xf32, #tpu.memory_space<vmem>> -> memref<80x128xf32, #tpu.memory_space<vmem>>
          %dma_wait3A_112 = arith.constant 0 : i32
          %dma_wait3A_113 = tpu.memref_slice %arg6[%mul3A_89, %dma_wait3A_112] : memref<10000x128xf32, #tpu.memory_space<vmem_shared>> -> memref<80x128xf32, #tpu.memory_space<vmem_shared>>
          tpu.wait_dma2 semaphore(%run_scoped3A_93 : memref<!tpu.dma_semaphore, #tpu.memory_space<semaphore_mem>>) src(%dma_wait3A_113 : memref<80x128xf32, #tpu.memory_space<vmem_shared>>) dst(%dma_wait3A_111 : memref<80x128xf32, #tpu.memory_space<vmem>>)
          tpu.yield
        }) : () -> ()
        %mul3A_90 = arith.constant 10000 : i32
        %mul3A_91 = arith.muli %arg0, %mul3A_90 : i32
        %add3A_92 = arith.addi %mul3A_91, %mul3A_89 : i32
        "tpu.region"() ({
          %run_scoped3A_93 = tpu.sem_alloc : memref<!tpu.dma_semaphore, #tpu.memory_space<semaphore_mem>>
          %dma_start3A_94 = arith.constant 0 : i32
          %dma_start3A_95 = arith.constant 0 : i32
          %dma_start3A_96 = tpu.memref_slice %arg9[%dma_start3A_94, %dma_start3A_95] : memref<80x128xf32, #tpu.memory_space<vmem>> -> memref<80x128xf32, #tpu.memory_space<vmem>>
          %dma_start3A_97 = arith.constant 0 : i32
          %dma_start3A_98 = tpu.memref_slice %arg5[%add3A_92, %dma_start3A_97] : memref<20000x128xf32, #tpu.memory_space<hbm>> -> memref<80x128xf32, #tpu.memory_space<hbm>>
          %dma_start3A_99 = arith.constant 0 : i32
          %dma_start3A_100 = tpu.memref_slice %arg5[%add3A_92, %dma_start3A_99] : memref<20000x128xf32, #tpu.memory_space<hbm>> -> memref<80x128xf32, #tpu.memory_space<hbm>>
          %dma_start3A_101 = arith.constant 0 : i32
          %dma_start3A_102 = arith.constant 0 : i32
          %dma_start3A_103 = tpu.memref_slice %arg9[%dma_start3A_101, %dma_start3A_102] : memref<80x128xf32, #tpu.memory_space<vmem>> -> memref<80x128xf32, #tpu.memory_space<vmem>>
          tpu.enqueue_dma source(%dma_start3A_103 : memref<80x128xf32, #tpu.memory_space<vmem>>) target(%dma_start3A_100 : memref<80x128xf32, #tpu.memory_space<hbm>>) target_semaphore(%run_scoped3A_93 : memref<!tpu.dma_semaphore, #tpu.memory_space<semaphore_mem>>)
          %dma_wait3A_104 = arith.constant 0 : i32
          %dma_wait3A_105 = arith.constant 0 : i32
          %dma_wait3A_106 = tpu.memref_slice %arg9[%dma_wait3A_104, %dma_wait3A_105] : memref<80x128xf32, #tpu.memory_space<vmem>> -> memref<80x128xf32, #tpu.memory_space<vmem>>
          %dma_wait3A_107 = arith.constant 0 : i32
          %dma_wait3A_108 = tpu.memref_slice %arg5[%add3A_92, %dma_wait3A_107] : memref<20000x128xf32, #tpu.memory_space<hbm>> -> memref<80x128xf32, #tpu.memory_space<hbm>>
          %dma_wait3A_109 = arith.constant 0 : i32
          %dma_wait3A_110 = tpu.memref_slice %arg5[%add3A_92, %dma_wait3A_109] : memref<20000x128xf32, #tpu.memory_space<hbm>> -> memref<80x128xf32, #tpu.memory_space<hbm>>
          %dma_wait3A_111 = arith.constant 0 : i32
          %dma_wait3A_112 = arith.constant 0 : i32
          %dma_wait3A_113 = tpu.memref_slice %arg9[%dma_wait3A_111, %dma_wait3A_112] : memref<80x128xf32, #tpu.memory_space<vmem>> -> memref<80x128xf32, #tpu.memory_space<vmem>>
          tpu.wait_dma2 semaphore(%run_scoped3A_93 : memref<!tpu.dma_semaphore, #tpu.memory_space<semaphore_mem>>) src(%dma_wait3A_113 : memref<80x128xf32, #tpu.memory_space<vmem>>) dst(%dma_wait3A_110 : memref<80x128xf32, #tpu.memory_space<hbm>>)
          tpu.yield
        }) : () -> ()
      } else {
      }
      %scan3A_87 = arith.constant 0 : i32
      scf.yield %scan3A_87 : i32
    }
    %scan3A_79 = arith.constant 8 : i32
    return
  }
}

module attributes {stable_mosaic.version = 14 : i64} {
  func.func @_mmA_body(%arg0: i32, %arg1: memref<2x1000x128xf32, #tpu.memory_space<vmem>>, %arg2: memref<1000x128xf32, #tpu.memory_space<vmem>>, %arg3: memref<128x128xf32, #tpu.memory_space<vmem>>, %arg4: memref<1x128xf32, #tpu.memory_space<vmem>>, %arg5: memref<1000x128xf32, #tpu.memory_space<vmem>>, %arg6: memref<8x128xf32, #tpu.memory_space<vmem>>) attributes {dimension_semantics = [#tpu.dimension_semantics<arbitrary>], iteration_bounds = array<i64: 10>, scalar_prefetch = 0 : i64, scratch_operands = 0 : i64, tpu.core_type = #tpu.core_type<tc>, window_params = [{transform_indices = @transform_0, window_bounds = array<i64: 2, 1000, 128>}, {transform_indices = @transform_1, window_bounds = array<i64: 1000, 128>}, {pipeline_mode = #tpu.pipeline_mode<synchronous>, transform_indices = @transform_2, window_bounds = array<i64: 128, 128>}, {pipeline_mode = #tpu.pipeline_mode<synchronous>, transform_indices = @transform_3, window_bounds = array<i64: 1, 128>}, {transform_indices = @transform_4, window_bounds = array<i64: 1000, 128>}, {pipeline_mode = #tpu.pipeline_mode<synchronous>, transform_indices = @transform_5, window_bounds = array<i64: 8, 128>}]} {
    %get3A = arith.constant 0 : index
    %get3A_0 = arith.constant 0 : index
    %get3A_1 = arith.constant 0 : index
    %get3A_2 = vector.load %arg1[%get3A, %get3A_0, %get3A_1] : memref<2x1000x128xf32, #tpu.memory_space<vmem>>, vector<1x1000x128xf32>
    %get3A_3 = vector.shape_cast %get3A_2 : vector<1x1000x128xf32> to vector<1000x128xf32>
    %get3A_4 = arith.constant 1 : index
    %get3A_5 = arith.constant 0 : index
    %get3A_6 = arith.constant 0 : index
    %get3A_7 = vector.load %arg1[%get3A_4, %get3A_5, %get3A_6] : memref<2x1000x128xf32, #tpu.memory_space<vmem>>, vector<1x1000x128xf32>
    %get3A_8 = vector.shape_cast %get3A_7 : vector<1x1000x128xf32> to vector<1000x128xf32>
    %add3A = arith.addf %get3A_3, %get3A_8 : vector<1000x128xf32>
    %get3A_9 = arith.constant 0 : index
    %get3A_10 = arith.constant 0 : index
    %get3A_11 = vector.load %arg2[%get3A_9, %get3A_10] : memref<1000x128xf32, #tpu.memory_space<vmem>>, vector<1000x128xf32>
    %sub3A = arith.subf %add3A, %get3A_11 : vector<1000x128xf32>
    %get3A_12 = arith.constant 0 : index
    %get3A_13 = arith.constant 0 : index
    %get3A_14 = vector.load %arg3[%get3A_12, %get3A_13] : memref<128x128xf32, #tpu.memory_space<vmem>>, vector<128x128xf32>
    %dot_general3A = arith.constant dense<0.000000e+00> : vector<1000x128xf32>
    %dot_general3A_15 = tpu.matmul %sub3A, %get3A_14, %dot_general3A {dimension_numbers = #tpu.dot_dimension_numbers<[1], [0], [0], [1], [0, 0, 1, 1], [], []>, transpose_lhs_hint = false} : vector<1000x128xf32>, vector<128x128xf32>, vector<1000x128xf32> -> vector<1000x128xf32>
    %get3A_16 = arith.constant 0 : index
    %get3A_17 = arith.constant 0 : index
    %get3A_18 = vector.load %arg4[%get3A_16, %get3A_17] : memref<1x128xf32, #tpu.memory_space<vmem>>, vector<1x128xf32>
    %add3A_19 = vector.broadcast %get3A_18 : vector<1x128xf32> to vector<1000x128xf32>
    %add3A_20 = arith.addf %dot_general3A_15, %add3A_19 : vector<1000x128xf32>
    %swap3A = arith.constant 0 : index
    %swap3A_21 = arith.constant 0 : index
    %swap3A_22 = vector.load %arg5[%swap3A, %swap3A_21] : memref<1000x128xf32, #tpu.memory_space<vmem>>, vector<1000x128xf32>
    tpu.vector_store %arg5[%swap3A, %swap3A_21], %add3A_20 {strides = array<i32>} : memref<1000x128xf32, #tpu.memory_space<vmem>>, vector<1000x128xf32>,
    %reduce_sum3A = arith.constant dense<0.000000e+00> : vector<128xf32>
    %reduce_sum3A_23 = vector.multi_reduction <add>, %add3A_20, %reduce_sum3A [0] : vector<1000x128xf32> to vector<128xf32>
    %broadcast_in_dim3A = vector.shape_cast %reduce_sum3A_23 : vector<128xf32> to vector<1x128xf32>
    %mul3A = arith.mulf %add3A_20, %add3A_20 : vector<1000x128xf32>
    %reduce_sum3A_24 = arith.constant dense<0.000000e+00> : vector<128xf32>
    %reduce_sum3A_25 = vector.multi_reduction <add>, %mul3A, %reduce_sum3A_24 [0] : vector<1000x128xf32> to vector<128xf32>
    %broadcast_in_dim3A_26 = vector.shape_cast %reduce_sum3A_25 : vector<128xf32> to vector<1x128xf32>
    %get3A_27 = arith.constant 0 : index
    %get3A_28 = arith.constant 0 : index
    %get3A_29 = vector.load %arg2[%get3A_27, %get3A_28] : memref<1000x128xf32, #tpu.memory_space<vmem>>, vector<1000x128xf32>
    %reduce_sum3A_30 = arith.constant dense<0.000000e+00> : vector<128xf32>
    %reduce_sum3A_31 = vector.multi_reduction <add>, %get3A_29, %reduce_sum3A_30 [0] : vector<1000x128xf32> to vector<128xf32>
    %broadcast_in_dim3A_32 = vector.shape_cast %reduce_sum3A_31 : vector<128xf32> to vector<1x128xf32>
    %broadcast_in_dim3A_33 = arith.constant 0.000000e+00 : f32
    %broadcast_in_dim3A_34 = vector.broadcast %broadcast_in_dim3A_33 : f32 to vector<5x128xf32>
    %concatenate3A = tpu.concatenate %broadcast_in_dim3A, %broadcast_in_dim3A_26, %broadcast_in_dim3A_32, %broadcast_in_dim3A_34 in 0 : vector<1x128xf32>, vector<1x128xf32>, vector<1x128xf32>, vector<5x128xf32> -> vector<8x128xf32>
    %eq3A = arith.constant 0 : i32
    %eq3A_35 = arith.cmpi eq, %arg0, %eq3A : i32
    %convert_element_type3A = arith.extui %eq3A_35 : i1 to i32
    %cond3A = arith.constant 0 : i32
    %cond3A_36 = arith.cmpi ne, %convert_element_type3A, %cond3A : i32
    scf.if %cond3A_36 {
      %swap3A_41 = arith.constant 0 : index
      %swap3A_42 = arith.constant 0 : index
      %swap3A_43 = vector.load %arg6[%swap3A_41, %swap3A_42] : memref<8x128xf32, #tpu.memory_space<vmem>>, vector<8x128xf32>
      tpu.vector_store %arg6[%swap3A_41, %swap3A_42], %concatenate3A {strides = array<i32>} : memref<8x128xf32, #tpu.memory_space<vmem>>, vector<8x128xf32>,
    } else {
    }
    %ne3A = arith.constant 0 : i32
    %ne3A_37 = arith.cmpi ne, %arg0, %ne3A : i32
    %convert_element_type3A_38 = arith.extui %ne3A_37 : i1 to i32
    %cond3A_39 = arith.constant 0 : i32
    %cond3A_40 = arith.cmpi ne, %convert_element_type3A_38, %cond3A_39 : i32
    scf.if %cond3A_40 {
      %get3A_41 = arith.constant 0 : index
      %get3A_42 = arith.constant 0 : index
      %get3A_43 = vector.load %arg6[%get3A_41, %get3A_42] : memref<8x128xf32, #tpu.memory_space<vmem>>, vector<8x128xf32>
      %add3A_44 = arith.addf %get3A_43, %concatenate3A : vector<8x128xf32>
      %swap3A_45 = arith.constant 0 : index
      %swap3A_46 = arith.constant 0 : index
      %swap3A_47 = vector.load %arg6[%swap3A_45, %swap3A_46] : memref<8x128xf32, #tpu.memory_space<vmem>>, vector<8x128xf32>
      tpu.vector_store %arg6[%swap3A_45, %swap3A_46], %add3A_44 {strides = array<i32>} : memref<8x128xf32, #tpu.memory_space<vmem>>, vector<8x128xf32>,
    } else {
    }
    return
  }
  func.func @transform_0(%arg0: i32) -> (i32, i32, i32) {
    %c0_i32 = arith.constant 0 : i32
    %c0_i32_0 = arith.constant 0 : i32
    %c0_i32_1 = arith.constant 0 : i32
    return %c0_i32, %arg0, %c0_i32_0 : i32, i32, i32
  }
  func.func @transform_1(%arg0: i32) -> (i32, i32) {
    %c0_i32 = arith.constant 0 : i32
    %c0_i32_0 = arith.constant 0 : i32
    return %arg0, %c0_i32 : i32, i32
  }
  func.func @transform_2(%arg0: i32) -> (i32, i32) {
    %c0_i32 = arith.constant 0 : i32
    %c0_i32_0 = arith.constant 0 : i32
    %c0_i32_1 = arith.constant 0 : i32
    return %c0_i32, %c0_i32_0 : i32, i32
  }
  func.func @transform_3(%arg0: i32) -> (i32, i32) {
    %c0_i32 = arith.constant 0 : i32
    %c0_i32_0 = arith.constant 0 : i32
    %c0_i32_1 = arith.constant 0 : i32
    return %c0_i32, %c0_i32_0 : i32, i32
  }
  func.func @transform_4(%arg0: i32) -> (i32, i32) {
    %c0_i32 = arith.constant 0 : i32
    %c0_i32_0 = arith.constant 0 : i32
    return %arg0, %c0_i32 : i32, i32
  }
  func.func @transform_5(%arg0: i32) -> (i32, i32) {
    %c0_i32 = arith.constant 0 : i32
    %c0_i32_0 = arith.constant 0 : i32
    %c0_i32_1 = arith.constant 0 : i32
    return %c0_i32, %c0_i32_0 : i32, i32
  }
}

module attributes {stable_mosaic.version = 14 : i64} {
  func.func @_mmB_body(%arg0: i32, %arg1: memref<1000x128xf32, #tpu.memory_space<vmem>>, %arg2: memref<8x128xf32, #tpu.memory_space<vmem>>, %arg3: memref<3x128xf32, #tpu.memory_space<vmem>>, %arg4: memref<128x128xf32, #tpu.memory_space<vmem>>, %arg5: memref<1000x128xf32, #tpu.memory_space<vmem>>, %arg6: memref<8x128xf32, #tpu.memory_space<vmem>>) attributes {dimension_semantics = [#tpu.dimension_semantics<arbitrary>], iteration_bounds = array<i64: 10>, scalar_prefetch = 0 : i64, scratch_operands = 0 : i64, tpu.core_type = #tpu.core_type<tc>, window_params = [{transform_indices = @transform_0, window_bounds = array<i64: 1000, 128>}, {pipeline_mode = #tpu.pipeline_mode<synchronous>, transform_indices = @transform_1, window_bounds = array<i64: 8, 128>}, {pipeline_mode = #tpu.pipeline_mode<synchronous>, transform_indices = @transform_2, window_bounds = array<i64: 3, 128>}, {pipeline_mode = #tpu.pipeline_mode<synchronous>, transform_indices = @transform_3, window_bounds = array<i64: 128, 128>}, {transform_indices = @transform_4, window_bounds = array<i64: 1000, 128>}, {pipeline_mode = #tpu.pipeline_mode<synchronous>, transform_indices = @transform_5, window_bounds = array<i64: 8, 128>}]} {
    %get3A = arith.constant 0 : index
    %get3A_0 = arith.constant 0 : index
    %get3A_1 = vector.load %arg2[%get3A, %get3A_0] : memref<8x128xf32, #tpu.memory_space<vmem>>, vector<1x128xf32>
    %mul3A = arith.constant 9.99999974E-5 : f32
    %mul3A_2 = vector.broadcast %mul3A : f32 to vector<1x128xf32>
    %mul3A_3 = arith.mulf %get3A_1, %mul3A_2 : vector<1x128xf32>
    %get3A_4 = arith.constant 1 : index
    %get3A_5 = arith.constant 0 : index
    %get3A_6 = vector.load %arg2[%get3A_4, %get3A_5] : memref<8x128xf32, #tpu.memory_space<vmem>>, vector<1x128xf32>
    %mul3A_7 = arith.constant 9.99999974E-5 : f32
    %mul3A_8 = vector.broadcast %mul3A_7 : f32 to vector<1x128xf32>
    %mul3A_9 = arith.mulf %get3A_6, %mul3A_8 : vector<1x128xf32>
    %mul3A_10 = arith.mulf %mul3A_3, %mul3A_3 : vector<1x128xf32>
    %sub3A = arith.subf %mul3A_9, %mul3A_10 : vector<1x128xf32>
    %add3A = arith.constant 9.99999974E-6 : f32
    %add3A_11 = vector.broadcast %add3A : f32 to vector<1x128xf32>
    %add3A_12 = arith.addf %sub3A, %add3A_11 : vector<1x128xf32>
    %rsqrt3A = math.rsqrt %add3A_12 : vector<1x128xf32>
    %get3A_13 = arith.constant 0 : index
    %get3A_14 = arith.constant 0 : index
    %get3A_15 = vector.load %arg3[%get3A_13, %get3A_14] : memref<3x128xf32, #tpu.memory_space<vmem>>, vector<1x128xf32>
    %get3A_16 = arith.constant 0 : index
    %get3A_17 = arith.constant 0 : index
    %get3A_18 = vector.load %arg1[%get3A_16, %get3A_17] : memref<1000x128xf32, #tpu.memory_space<vmem>>, vector<1000x128xf32>
    %sub3A_19 = vector.broadcast %mul3A_3 : vector<1x128xf32> to vector<1000x128xf32>
    %sub3A_20 = arith.subf %get3A_18, %sub3A_19 : vector<1000x128xf32>
    %mul3A_21 = vector.broadcast %get3A_15 : vector<1x128xf32> to vector<1000x128xf32>
    %mul3A_22 = arith.mulf %mul3A_21, %sub3A_20 : vector<1000x128xf32>
    %mul3A_23 = vector.broadcast %rsqrt3A : vector<1x128xf32> to vector<1000x128xf32>
    %mul3A_24 = arith.mulf %mul3A_22, %mul3A_23 : vector<1000x128xf32>
    %get3A_25 = arith.constant 1 : index
    %get3A_26 = arith.constant 0 : index
    %get3A_27 = vector.load %arg3[%get3A_25, %get3A_26] : memref<3x128xf32, #tpu.memory_space<vmem>>, vector<1x128xf32>
    %add3A_28 = vector.broadcast %get3A_27 : vector<1x128xf32> to vector<1000x128xf32>
    %add3A_29 = arith.addf %mul3A_24, %add3A_28 : vector<1000x128xf32>
    %max3A = arith.constant 0.000000e+00 : f32
    %max3A_30 = vector.broadcast %max3A : f32 to vector<1000x128xf32>
    %max3A_31 = arith.maximumf %add3A_29, %max3A_30 : vector<1000x128xf32>
    %get3A_32 = arith.constant 0 : index
    %get3A_33 = arith.constant 0 : index
    %get3A_34 = vector.load %arg4[%get3A_32, %get3A_33] : memref<128x128xf32, #tpu.memory_space<vmem>>, vector<128x128xf32>
    %dot_general3A = arith.constant dense<0.000000e+00> : vector<1000x128xf32>
    %dot_general3A_35 = tpu.matmul %max3A_31, %get3A_34, %dot_general3A {dimension_numbers = #tpu.dot_dimension_numbers<[1], [0], [0], [1], [0, 0, 1, 1], [], []>, transpose_lhs_hint = false} : vector<1000x128xf32>, vector<128x128xf32>, vector<1000x128xf32> -> vector<1000x128xf32>
    %get3A_36 = arith.constant 2 : index
    %get3A_37 = arith.constant 0 : index
    %get3A_38 = vector.load %arg3[%get3A_36, %get3A_37] : memref<3x128xf32, #tpu.memory_space<vmem>>, vector<1x128xf32>
    %add3A_39 = vector.broadcast %get3A_38 : vector<1x128xf32> to vector<1000x128xf32>
    %add3A_40 = arith.addf %dot_general3A_35, %add3A_39 : vector<1000x128xf32>
    %swap3A = arith.constant 0 : index
    %swap3A_41 = arith.constant 0 : index
    %swap3A_42 = vector.load %arg5[%swap3A, %swap3A_41] : memref<1000x128xf32, #tpu.memory_space<vmem>>, vector<1000x128xf32>
    tpu.vector_store %arg5[%swap3A, %swap3A_41], %add3A_40 {strides = array<i32>} : memref<1000x128xf32, #tpu.memory_space<vmem>>, vector<1000x128xf32>,
    %reduce_sum3A = arith.constant dense<0.000000e+00> : vector<128xf32>
    %reduce_sum3A_43 = vector.multi_reduction <add>, %add3A_40, %reduce_sum3A [0] : vector<1000x128xf32> to vector<128xf32>
    %broadcast_in_dim3A = vector.shape_cast %reduce_sum3A_43 : vector<128xf32> to vector<1x128xf32>
    %mul3A_44 = arith.mulf %add3A_40, %add3A_40 : vector<1000x128xf32>
    %reduce_sum3A_45 = arith.constant dense<0.000000e+00> : vector<128xf32>
    %reduce_sum3A_46 = vector.multi_reduction <add>, %mul3A_44, %reduce_sum3A_45 [0] : vector<1000x128xf32> to vector<128xf32>
    %broadcast_in_dim3A_47 = vector.shape_cast %reduce_sum3A_46 : vector<128xf32> to vector<1x128xf32>
    %broadcast_in_dim3A_48 = arith.constant 0.000000e+00 : f32
    %broadcast_in_dim3A_49 = vector.broadcast %broadcast_in_dim3A_48 : f32 to vector<6x128xf32>
    %concatenate3A = tpu.concatenate %broadcast_in_dim3A, %broadcast_in_dim3A_47, %broadcast_in_dim3A_49 in 0 : vector<1x128xf32>, vector<1x128xf32>, vector<6x128xf32> -> vector<8x128xf32>
    %eq3A = arith.constant 0 : i32
    %eq3A_50 = arith.cmpi eq, %arg0, %eq3A : i32
    %convert_element_type3A = arith.extui %eq3A_50 : i1 to i32
    %cond3A = arith.constant 0 : i32
    %cond3A_51 = arith.cmpi ne, %convert_element_type3A, %cond3A : i32
    scf.if %cond3A_51 {
      %swap3A_56 = arith.constant 0 : index
      %swap3A_57 = arith.constant 0 : index
      %swap3A_58 = vector.load %arg6[%swap3A_56, %swap3A_57] : memref<8x128xf32, #tpu.memory_space<vmem>>, vector<8x128xf32>
      tpu.vector_store %arg6[%swap3A_56, %swap3A_57], %concatenate3A {strides = array<i32>} : memref<8x128xf32, #tpu.memory_space<vmem>>, vector<8x128xf32>,
    } else {
    }
    %ne3A = arith.constant 0 : i32
    %ne3A_52 = arith.cmpi ne, %arg0, %ne3A : i32
    %convert_element_type3A_53 = arith.extui %ne3A_52 : i1 to i32
    %cond3A_54 = arith.constant 0 : i32
    %cond3A_55 = arith.cmpi ne, %convert_element_type3A_53, %cond3A_54 : i32
    scf.if %cond3A_55 {
      %get3A_56 = arith.constant 0 : index
      %get3A_57 = arith.constant 0 : index
      %get3A_58 = vector.load %arg6[%get3A_56, %get3A_57] : memref<8x128xf32, #tpu.memory_space<vmem>>, vector<8x128xf32>
      %add3A_59 = arith.addf %get3A_58, %concatenate3A : vector<8x128xf32>
      %swap3A_60 = arith.constant 0 : index
      %swap3A_61 = arith.constant 0 : index
      %swap3A_62 = vector.load %arg6[%swap3A_60, %swap3A_61] : memref<8x128xf32, #tpu.memory_space<vmem>>, vector<8x128xf32>
      tpu.vector_store %arg6[%swap3A_60, %swap3A_61], %add3A_59 {strides = array<i32>} : memref<8x128xf32, #tpu.memory_space<vmem>>, vector<8x128xf32>,
    } else {
    }
    return
  }
  func.func @transform_0(%arg0: i32) -> (i32, i32) {
    %c0_i32 = arith.constant 0 : i32
    %c0_i32_0 = arith.constant 0 : i32
    return %arg0, %c0_i32 : i32, i32
  }
  func.func @transform_1(%arg0: i32) -> (i32, i32) {
    %c0_i32 = arith.constant 0 : i32
    %c0_i32_0 = arith.constant 0 : i32
    %c0_i32_1 = arith.constant 0 : i32
    return %c0_i32, %c0_i32_0 : i32, i32
  }
  func.func @transform_2(%arg0: i32) -> (i32, i32) {
    %c0_i32 = arith.constant 0 : i32
    %c0_i32_0 = arith.constant 0 : i32
    %c0_i32_1 = arith.constant 0 : i32
    return %c0_i32, %c0_i32_0 : i32, i32
  }
  func.func @transform_3(%arg0: i32) -> (i32, i32) {
    %c0_i32 = arith.constant 0 : i32
    %c0_i32_0 = arith.constant 0 : i32
    %c0_i32_1 = arith.constant 0 : i32
    return %c0_i32, %c0_i32_0 : i32, i32
  }
  func.func @transform_4(%arg0: i32) -> (i32, i32) {
    %c0_i32 = arith.constant 0 : i32
    %c0_i32_0 = arith.constant 0 : i32
    return %arg0, %c0_i32 : i32, i32
  }
  func.func @transform_5(%arg0: i32) -> (i32, i32) {
    %c0_i32 = arith.constant 0 : i32
    %c0_i32_0 = arith.constant 0 : i32
    %c0_i32_1 = arith.constant 0 : i32
    return %c0_i32, %c0_i32_0 : i32, i32
  }
}

module attributes {stable_mosaic.version = 14 : i64} {
  func.func @_bnC_body(%arg0: i32, %arg1: memref<1000x128xf32, #tpu.memory_space<vmem>>, %arg2: memref<8x128xf32, #tpu.memory_space<vmem>>, %arg3: memref<2x128xf32, #tpu.memory_space<vmem>>, %arg4: memref<1000x128xf32, #tpu.memory_space<vmem>>) attributes {dimension_semantics = [#tpu.dimension_semantics<arbitrary>], iteration_bounds = array<i64: 10>, scalar_prefetch = 0 : i64, scratch_operands = 0 : i64, tpu.core_type = #tpu.core_type<tc>, window_params = [{transform_indices = @transform_0, window_bounds = array<i64: 1000, 128>}, {pipeline_mode = #tpu.pipeline_mode<synchronous>, transform_indices = @transform_1, window_bounds = array<i64: 8, 128>}, {pipeline_mode = #tpu.pipeline_mode<synchronous>, transform_indices = @transform_2, window_bounds = array<i64: 2, 128>}, {transform_indices = @transform_3, window_bounds = array<i64: 1000, 128>}]} {
    %get3A = arith.constant 0 : index
    %get3A_0 = arith.constant 0 : index
    %get3A_1 = vector.load %arg2[%get3A, %get3A_0] : memref<8x128xf32, #tpu.memory_space<vmem>>, vector<1x128xf32>
    %mul3A = arith.constant 9.99999974E-5 : f32
    %mul3A_2 = vector.broadcast %mul3A : f32 to vector<1x128xf32>
    %mul3A_3 = arith.mulf %get3A_1, %mul3A_2 : vector<1x128xf32>
    %get3A_4 = arith.constant 1 : index
    %get3A_5 = arith.constant 0 : index
    %get3A_6 = vector.load %arg2[%get3A_4, %get3A_5] : memref<8x128xf32, #tpu.memory_space<vmem>>, vector<1x128xf32>
    %mul3A_7 = arith.constant 9.99999974E-5 : f32
    %mul3A_8 = vector.broadcast %mul3A_7 : f32 to vector<1x128xf32>
    %mul3A_9 = arith.mulf %get3A_6, %mul3A_8 : vector<1x128xf32>
    %mul3A_10 = arith.mulf %mul3A_3, %mul3A_3 : vector<1x128xf32>
    %sub3A = arith.subf %mul3A_9, %mul3A_10 : vector<1x128xf32>
    %add3A = arith.constant 9.99999974E-6 : f32
    %add3A_11 = vector.broadcast %add3A : f32 to vector<1x128xf32>
    %add3A_12 = arith.addf %sub3A, %add3A_11 : vector<1x128xf32>
    %rsqrt3A = math.rsqrt %add3A_12 : vector<1x128xf32>
    %get3A_13 = arith.constant 0 : index
    %get3A_14 = arith.constant 0 : index
    %get3A_15 = vector.load %arg3[%get3A_13, %get3A_14] : memref<2x128xf32, #tpu.memory_space<vmem>>, vector<1x128xf32>
    %get3A_16 = arith.constant 0 : index
    %get3A_17 = arith.constant 0 : index
    %get3A_18 = vector.load %arg1[%get3A_16, %get3A_17] : memref<1000x128xf32, #tpu.memory_space<vmem>>, vector<1000x128xf32>
    %sub3A_19 = vector.broadcast %mul3A_3 : vector<1x128xf32> to vector<1000x128xf32>
    %sub3A_20 = arith.subf %get3A_18, %sub3A_19 : vector<1000x128xf32>
    %mul3A_21 = vector.broadcast %get3A_15 : vector<1x128xf32> to vector<1000x128xf32>
    %mul3A_22 = arith.mulf %mul3A_21, %sub3A_20 : vector<1000x128xf32>
    %mul3A_23 = vector.broadcast %rsqrt3A : vector<1x128xf32> to vector<1000x128xf32>
    %mul3A_24 = arith.mulf %mul3A_22, %mul3A_23 : vector<1000x128xf32>
    %get3A_25 = arith.constant 1 : index
    %get3A_26 = arith.constant 0 : index
    %get3A_27 = vector.load %arg3[%get3A_25, %get3A_26] : memref<2x128xf32, #tpu.memory_space<vmem>>, vector<1x128xf32>
    %add3A_28 = vector.broadcast %get3A_27 : vector<1x128xf32> to vector<1000x128xf32>
    %add3A_29 = arith.addf %mul3A_24, %add3A_28 : vector<1000x128xf32>
    %max3A = arith.constant 0.000000e+00 : f32
    %max3A_30 = vector.broadcast %max3A : f32 to vector<1000x128xf32>
    %max3A_31 = arith.maximumf %add3A_29, %max3A_30 : vector<1000x128xf32>
    %swap3A = arith.constant 0 : index
    %swap3A_32 = arith.constant 0 : index
    %swap3A_33 = vector.load %arg4[%swap3A, %swap3A_32] : memref<1000x128xf32, #tpu.memory_space<vmem>>, vector<1000x128xf32>
    tpu.vector_store %arg4[%swap3A, %swap3A_32], %max3A_31 {strides = array<i32>} : memref<1000x128xf32, #tpu.memory_space<vmem>>, vector<1000x128xf32>,
    return
  }
  func.func @transform_0(%arg0: i32) -> (i32, i32) {
    %c0_i32 = arith.constant 0 : i32
    %c0_i32_0 = arith.constant 0 : i32
    return %arg0, %c0_i32 : i32, i32
  }
  func.func @transform_1(%arg0: i32) -> (i32, i32) {
    %c0_i32 = arith.constant 0 : i32
    %c0_i32_0 = arith.constant 0 : i32
    %c0_i32_1 = arith.constant 0 : i32
    return %c0_i32, %c0_i32_0 : i32, i32
  }
  func.func @transform_2(%arg0: i32) -> (i32, i32) {
    %c0_i32 = arith.constant 0 : i32
    %c0_i32_0 = arith.constant 0 : i32
    %c0_i32_1 = arith.constant 0 : i32
    return %c0_i32, %c0_i32_0 : i32, i32
  }
  func.func @transform_3(%arg0: i32) -> (i32, i32) {
    %c0_i32 = arith.constant 0 : i32
    %c0_i32_0 = arith.constant 0 : i32
    return %arg0, %c0_i32 : i32, i32
  }
}

module attributes {stable_mosaic.version = 14 : i64} {
  func.func @_bnD_body(%arg0: i32, %arg1: memref<1000x128xf32, #tpu.memory_space<vmem>>, %arg2: memref<8x128xf32, #tpu.memory_space<vmem>>, %arg3: memref<2x128xf32, #tpu.memory_space<vmem>>, %arg4: memref<8x128xf32, #tpu.memory_space<vmem>>) attributes {dimension_semantics = [#tpu.dimension_semantics<arbitrary>], iteration_bounds = array<i64: 10>, scalar_prefetch = 0 : i64, scratch_operands = 0 : i64, tpu.core_type = #tpu.core_type<tc>, window_params = [{transform_indices = @transform_0, window_bounds = array<i64: 1000, 128>}, {pipeline_mode = #tpu.pipeline_mode<synchronous>, transform_indices = @transform_1, window_bounds = array<i64: 8, 128>}, {pipeline_mode = #tpu.pipeline_mode<synchronous>, transform_indices = @transform_2, window_bounds = array<i64: 2, 128>}, {pipeline_mode = #tpu.pipeline_mode<synchronous>, transform_indices = @transform_3, window_bounds = array<i64: 8, 128>}]} {
    %get3A = arith.constant 0 : index
    %get3A_0 = arith.constant 0 : index
    %get3A_1 = vector.load %arg2[%get3A, %get3A_0] : memref<8x128xf32, #tpu.memory_space<vmem>>, vector<1x128xf32>
    %mul3A = arith.constant 9.99999974E-5 : f32
    %mul3A_2 = vector.broadcast %mul3A : f32 to vector<1x128xf32>
    %mul3A_3 = arith.mulf %get3A_1, %mul3A_2 : vector<1x128xf32>
    %get3A_4 = arith.constant 1 : index
    %get3A_5 = arith.constant 0 : index
    %get3A_6 = vector.load %arg2[%get3A_4, %get3A_5] : memref<8x128xf32, #tpu.memory_space<vmem>>, vector<1x128xf32>
    %mul3A_7 = arith.constant 9.99999974E-5 : f32
    %mul3A_8 = vector.broadcast %mul3A_7 : f32 to vector<1x128xf32>
    %mul3A_9 = arith.mulf %get3A_6, %mul3A_8 : vector<1x128xf32>
    %mul3A_10 = arith.mulf %mul3A_3, %mul3A_3 : vector<1x128xf32>
    %sub3A = arith.subf %mul3A_9, %mul3A_10 : vector<1x128xf32>
    %add3A = arith.constant 9.99999974E-6 : f32
    %add3A_11 = vector.broadcast %add3A : f32 to vector<1x128xf32>
    %add3A_12 = arith.addf %sub3A, %add3A_11 : vector<1x128xf32>
    %rsqrt3A = math.rsqrt %add3A_12 : vector<1x128xf32>
    %get3A_13 = arith.constant 0 : index
    %get3A_14 = arith.constant 0 : index
    %get3A_15 = vector.load %arg3[%get3A_13, %get3A_14] : memref<2x128xf32, #tpu.memory_space<vmem>>, vector<1x128xf32>
    %get3A_16 = arith.constant 0 : index
    %get3A_17 = arith.constant 0 : index
    %get3A_18 = vector.load %arg1[%get3A_16, %get3A_17] : memref<1000x128xf32, #tpu.memory_space<vmem>>, vector<1000x128xf32>
    %sub3A_19 = vector.broadcast %mul3A_3 : vector<1x128xf32> to vector<1000x128xf32>
    %sub3A_20 = arith.subf %get3A_18, %sub3A_19 : vector<1000x128xf32>
    %mul3A_21 = vector.broadcast %get3A_15 : vector<1x128xf32> to vector<1000x128xf32>
    %mul3A_22 = arith.mulf %mul3A_21, %sub3A_20 : vector<1000x128xf32>
    %mul3A_23 = vector.broadcast %rsqrt3A : vector<1x128xf32> to vector<1000x128xf32>
    %mul3A_24 = arith.mulf %mul3A_22, %mul3A_23 : vector<1000x128xf32>
    %get3A_25 = arith.constant 1 : index
    %get3A_26 = arith.constant 0 : index
    %get3A_27 = vector.load %arg3[%get3A_25, %get3A_26] : memref<2x128xf32, #tpu.memory_space<vmem>>, vector<1x128xf32>
    %add3A_28 = vector.broadcast %get3A_27 : vector<1x128xf32> to vector<1000x128xf32>
    %add3A_29 = arith.addf %mul3A_24, %add3A_28 : vector<1000x128xf32>
    %max3A = arith.constant 0.000000e+00 : f32
    %max3A_30 = vector.broadcast %max3A : f32 to vector<1000x128xf32>
    %max3A_31 = arith.maximumf %add3A_29, %max3A_30 : vector<1000x128xf32>
    %reduce_sum3A = arith.constant dense<0.000000e+00> : vector<128xf32>
    %reduce_sum3A_32 = vector.multi_reduction <add>, %max3A_31, %reduce_sum3A [0] : vector<1000x128xf32> to vector<128xf32>
    %broadcast_in_dim3A = vector.shape_cast %reduce_sum3A_32 : vector<128xf32> to vector<1x128xf32>
    %broadcast_in_dim3A_33 = arith.constant 0.000000e+00 : f32
    %broadcast_in_dim3A_34 = vector.broadcast %broadcast_in_dim3A_33 : f32 to vector<7x128xf32>
    %concatenate3A = tpu.concatenate %broadcast_in_dim3A, %broadcast_in_dim3A_34 in 0 : vector<1x128xf32>, vector<7x128xf32> -> vector<8x128xf32>
    %eq3A = arith.constant 0 : i32
    %eq3A_35 = arith.cmpi eq, %arg0, %eq3A : i32
    %convert_element_type3A = arith.extui %eq3A_35 : i1 to i32
    %cond3A = arith.constant 0 : i32
    %cond3A_36 = arith.cmpi ne, %convert_element_type3A, %cond3A : i32
    scf.if %cond3A_36 {
      %swap3A = arith.constant 0 : index
      %swap3A_41 = arith.constant 0 : index
      %swap3A_42 = vector.load %arg4[%swap3A, %swap3A_41] : memref<8x128xf32, #tpu.memory_space<vmem>>, vector<8x128xf32>
      tpu.vector_store %arg4[%swap3A, %swap3A_41], %concatenate3A {strides = array<i32>} : memref<8x128xf32, #tpu.memory_space<vmem>>, vector<8x128xf32>,
    } else {
    }
    %ne3A = arith.constant 0 : i32
    %ne3A_37 = arith.cmpi ne, %arg0, %ne3A : i32
    %convert_element_type3A_38 = arith.extui %ne3A_37 : i1 to i32
    %cond3A_39 = arith.constant 0 : i32
    %cond3A_40 = arith.cmpi ne, %convert_element_type3A_38, %cond3A_39 : i32
    scf.if %cond3A_40 {
      %get3A_41 = arith.constant 0 : index
      %get3A_42 = arith.constant 0 : index
      %get3A_43 = vector.load %arg4[%get3A_41, %get3A_42] : memref<8x128xf32, #tpu.memory_space<vmem>>, vector<8x128xf32>
      %add3A_44 = arith.addf %get3A_43, %concatenate3A : vector<8x128xf32>
      %swap3A = arith.constant 0 : index
      %swap3A_45 = arith.constant 0 : index
      %swap3A_46 = vector.load %arg4[%swap3A, %swap3A_45] : memref<8x128xf32, #tpu.memory_space<vmem>>, vector<8x128xf32>
      tpu.vector_store %arg4[%swap3A, %swap3A_45], %add3A_44 {strides = array<i32>} : memref<8x128xf32, #tpu.memory_space<vmem>>, vector<8x128xf32>,
    } else {
    }
    return
  }
  func.func @transform_0(%arg0: i32) -> (i32, i32) {
    %c0_i32 = arith.constant 0 : i32
    %c0_i32_0 = arith.constant 0 : i32
    return %arg0, %c0_i32 : i32, i32
  }
  func.func @transform_1(%arg0: i32) -> (i32, i32) {
    %c0_i32 = arith.constant 0 : i32
    %c0_i32_0 = arith.constant 0 : i32
    %c0_i32_1 = arith.constant 0 : i32
    return %c0_i32, %c0_i32_0 : i32, i32
  }
  func.func @transform_2(%arg0: i32) -> (i32, i32) {
    %c0_i32 = arith.constant 0 : i32
    %c0_i32_0 = arith.constant 0 : i32
    %c0_i32_1 = arith.constant 0 : i32
    return %c0_i32, %c0_i32_0 : i32, i32
  }
  func.func @transform_3(%arg0: i32) -> (i32, i32) {
    %c0_i32 = arith.constant 0 : i32
    %c0_i32_0 = arith.constant 0 : i32
    %c0_i32_1 = arith.constant 0 : i32
    return %c0_i32, %c0_i32_0 : i32, i32
  }
}

module attributes {stable_mosaic.version = 14 : i64} {
  func.func @_pred_body(%arg0: memref<8x128xf32, #tpu.memory_space<vmem>>, %arg1: memref<8x128xf32, #tpu.memory_space<vmem>>, %arg2: memref<8x128xf32, #tpu.memory_space<vmem>>, %arg3: memref<3x128x128xf32, #tpu.memory_space<vmem>>, %arg4: memref<3x128xf32, #tpu.memory_space<vmem>>, %arg5: memref<1x128xf32, #tpu.memory_space<vmem>>) attributes {dimension_semantics = [], scalar_prefetch = 0 : i64, scratch_operands = 0 : i64, tpu.core_type = #tpu.core_type<tc>} {
    %get3A = arith.constant 2 : index
    %get3A_0 = arith.constant 0 : index
    %get3A_1 = vector.load %arg0[%get3A, %get3A_0] : memref<8x128xf32, #tpu.memory_space<vmem>>, vector<1x128xf32>
    %get3A_2 = arith.constant 0 : index
    %get3A_3 = arith.constant 0 : index
    %get3A_4 = arith.constant 0 : index
    %get3A_5 = vector.load %arg3[%get3A_2, %get3A_3, %get3A_4] : memref<3x128x128xf32, #tpu.memory_space<vmem>>, vector<1x128x128xf32>
    %get3A_6 = vector.shape_cast %get3A_5 : vector<1x128x128xf32> to vector<128x128xf32>
    %dot_general3A = arith.constant dense<0.000000e+00> : vector<1x128xf32>
    %dot_general3A_7 = tpu.matmul %get3A_1, %get3A_6, %dot_general3A {dimension_numbers = #tpu.dot_dimension_numbers<[1], [0], [0], [1], [0, 0, 1, 1], [], []>, transpose_lhs_hint = false} : vector<1x128xf32>, vector<128x128xf32>, vector<1x128xf32> -> vector<1x128xf32>
    %get3A_8 = arith.constant 2 : index
    %get3A_9 = arith.constant 0 : index
    %get3A_10 = vector.load %arg1[%get3A_8, %get3A_9] : memref<8x128xf32, #tpu.memory_space<vmem>>, vector<1x128xf32>
    %get3A_11 = arith.constant 1 : index
    %get3A_12 = arith.constant 0 : index
    %get3A_13 = arith.constant 0 : index
    %get3A_14 = vector.load %arg3[%get3A_11, %get3A_12, %get3A_13] : memref<3x128x128xf32, #tpu.memory_space<vmem>>, vector<1x128x128xf32>
    %get3A_15 = vector.shape_cast %get3A_14 : vector<1x128x128xf32> to vector<128x128xf32>
    %dot_general3A_16 = arith.constant dense<0.000000e+00> : vector<1x128xf32>
    %dot_general3A_17 = tpu.matmul %get3A_10, %get3A_15, %dot_general3A_16 {dimension_numbers = #tpu.dot_dimension_numbers<[1], [0], [0], [1], [0, 0, 1, 1], [], []>, transpose_lhs_hint = false} : vector<1x128xf32>, vector<128x128xf32>, vector<1x128xf32> -> vector<1x128xf32>
    %add3A = arith.addf %dot_general3A_7, %dot_general3A_17 : vector<1x128xf32>
    %get3A_18 = arith.constant 0 : index
    %get3A_19 = arith.constant 0 : index
    %get3A_20 = vector.load %arg2[%get3A_18, %get3A_19] : memref<8x128xf32, #tpu.memory_space<vmem>>, vector<1x128xf32>
    %get3A_21 = arith.constant 2 : index
    %get3A_22 = arith.constant 0 : index
    %get3A_23 = arith.constant 0 : index
    %get3A_24 = vector.load %arg3[%get3A_21, %get3A_22, %get3A_23] : memref<3x128x128xf32, #tpu.memory_space<vmem>>, vector<1x128x128xf32>
    %get3A_25 = vector.shape_cast %get3A_24 : vector<1x128x128xf32> to vector<128x128xf32>
    %dot_general3A_26 = arith.constant dense<0.000000e+00> : vector<1x128xf32>
    %dot_general3A_27 = tpu.matmul %get3A_20, %get3A_25, %dot_general3A_26 {dimension_numbers = #tpu.dot_dimension_numbers<[1], [0], [0], [1], [0, 0, 1, 1], [], []>, transpose_lhs_hint = false} : vector<1x128xf32>, vector<128x128xf32>, vector<1x128xf32> -> vector<1x128xf32>
    %add3A_28 = arith.addf %add3A, %dot_general3A_27 : vector<1x128xf32>
    %get3A_29 = arith.constant 0 : index
    %get3A_30 = arith.constant 0 : index
    %get3A_31 = vector.load %arg4[%get3A_29, %get3A_30] : memref<3x128xf32, #tpu.memory_space<vmem>>, vector<1x128xf32>
    %add3A_32 = arith.addf %add3A_28, %get3A_31 : vector<1x128xf32>
    %get3A_33 = arith.constant 1 : index
    %get3A_34 = arith.constant 0 : index
    %get3A_35 = vector.load %arg4[%get3A_33, %get3A_34] : memref<3x128xf32, #tpu.memory_space<vmem>>, vector<1x128xf32>
    %add3A_36 = arith.addf %add3A_32, %get3A_35 : vector<1x128xf32>
    %get3A_37 = arith.constant 2 : index
    %get3A_38 = arith.constant 0 : index
    %get3A_39 = vector.load %arg4[%get3A_37, %get3A_38] : memref<3x128xf32, #tpu.memory_space<vmem>>, vector<1x128xf32>
    %add3A_40 = arith.addf %add3A_36, %get3A_39 : vector<1x128xf32>
    %swap3A = arith.constant 0 : index
    %swap3A_41 = arith.constant 0 : index
    %swap3A_42 = vector.load %arg5[%swap3A, %swap3A_41] : memref<1x128xf32, #tpu.memory_space<vmem>>, vector<1x128xf32>
    tpu.vector_store %arg5[%swap3A, %swap3A_41], %add3A_40 {strides = array<i32>} : memref<1x128xf32, #tpu.memory_space<vmem>>, vector<1x128xf32>,
    return
  }
}

</mosaic_0001>

<sc_bundles>
// kernel: kernel.11.cloned.1.call-start
scs
__scs_entry_jumppad:
0x0: {  	(pc) =	sbr.rel $0x88, $3  }
0x1: {  	(tag) =	ssettag $0x0;
	lr =	simm.s32 $0x1  }
0x2: {  	[smem:$0x3F89] =	sst lr;
	_ =	strace $0xD0000000  }
0x3: {  	_ = 	snop  }
0x4: {  	_ = 	snop  }
0x5: {  	_ = 	snop  }
0x6: {  	_ = 	snop  }
0x7: {  	_ = 	snop  }
__scs_overlays_trampoline_lowered:
0x8: {  	[smem:$0x3F98] =	sst s0  }
0x9: {  	[smem:$0x3F99] =	sst s1  }
0xa: {  	[smem:$0x3F9A] =	sst s2  }
0xb: {  	[smem:$0x3F9B] =	sst s3  }
0xc: {  	[smem:$0x3F9C] =	sst s4  }
0xd: {  	[smem:$0x3F9D] =	sst s5  }
0xe: {  	[smem:$0x3F9E] =	sst s6  }
0xf: {  	[smem:$0x3F9F] =	sst s7  }
0x10: {  	[smem:$0x3FA0] =	sst s8  }
0x11: {  	[smem:$0x3FA1] =	sst s9;
	s0 =	simm.s32 @!p0 $0x0  }
0x12: {  	s1 =	sld [smem:$0x3F87];
	s0 =	simm.s32 @p0 $0x1  }
0x13: {  	[smem:$0x3FA2] =	sst s0;
	s0 =	simm.s32 @!p1 $0x0  }
0x14: {  	s2 =	sld [smem:$0x3F86];
	s0 =	simm.s32 @p1 $0x1  }
0x15: {  	[smem:$0x3FA3] =	sst s0;
	s0 =	simm.s32 @!p2 $0x0  }
0x16: {  	s3 =	sld [smem:$0x3FDB];
	s0 =	simm.s32 @p2 $0x1  }
0x17: {  	s4 =	simm.s32 $0x1BF5;
	[smem:$0x3FA5] =	sst s0  }
0x18: {  	s0 =	sld [smem:$0x3F88];
	_ =	swait.ge [sflag:s4], $0x0  }
0x19: {  	s7 =	sld [smem:$0x3F89]  }
0x1a: {  	s8 =	sadd.s32 $0xFFFFE003, lr  }
0x1b: {  	s9 =	sadd.s32 $0xFFFFFEF7, lr;
	s5 =	simm.s32 $0xFFFFFFFF;
	p2 =	slt.u32 s8, $0xFFFFF086  }
0x1c: {  	p1 =	slt.u32 s9, $0xF7A;
	s5 =	simm.s32 @!p2 $0x0  }
0x1d: {  	s5 =	simm.s32 @p1 $0x1;
	p0 =	seq.s32 s7, s2  }
0x1e: {  	s7 =	smul.u32 @!p0 $0xF7A, s2;
	p2 =	seq.s32 @!p0 s5, $0x0  }
0x1f: {  	s9 =	smul.u32 $0xF7A, s1;
	s8 =	simm.s32 @!p0 $0x1BF5;
	p2 =	por !p2, p0  }
0x20: {  	[sflag:s8] =	ssyncset.s32 @!p0 $0xFFFFF086;
	s6 =	sadd.s32 @!p0 s3, s7;
	s7 =	simm.s32 @!p0 $0x108  }
0x21: {  	s3 =	sadd.s32 s3, s9;
	s6 =	sadd.s32 @!p0 $0x88, s6;
	s7 =	simm.s32 @p2 $0x1082  }
0x22: {  	[simem:s7], [sflag:s8] =	dma.local @!p0 [hbm:s6], $0xF7A  }
0x23: {  	s9 =	sor.u32 $0xD0000000, s2;
	s6 =	simm.s32 $0x108;
	_ =	swait.ge @!p0 [sflag:s8], $0x0  }
0x24: {  	s3 =	sadd.s32 $0x88, s3;
	s6 =	simm.s32 @!p1 $0x1082;
	[sflag:s4] =	ssyncset.s32 $0xFFFFF086  }
0x25: {  	[simem:s6], [sflag:s4] =	dma.local [hbm:s3], $0xF7A  }
0x26: {  	[smem:$0x3F89] =	sst s1;
	(tag) =	ssettag s2;
	_ =	strace s9  }
0x27: {  	s1 =	sld [smem:$0x3F99]  }
0x28: {  	s2 =	sld [smem:$0x3F9A]  }
0x29: {  	s4 =	sld [smem:$0x3F9C]  }
0x2a: {  	p0 =	seq.s32 s5, $0x0;
	s5 =	sld [smem:$0x3F9D]  }
0x2b: {  	s6 =	sld [smem:$0x3F9E]  }
0x2c: {  	s7 =	sld [smem:$0x3F9F]  }
0x2d: {  	s3 =	simm.s32 $0x108;
	s8 =	sld [smem:$0x3FA0]  }
0x2e: {  	s3 =	simm.s32 @!p0 $0x1082;
	s9 =	sld [smem:$0x3FA1]  }
0x2f: {  	lr =	sadd.s32 s0, s3;
	s0 =	sld [smem:$0x3F98]  }
0x30: {  	s3 =	sld [smem:$0x3F9B]  }
0x31: {  	[smem:$0x3FA4] =	sst s10  }
0x32: {  	s10 =	sld [smem:$0x3FA2];
	_ =	sdelay $0x3  }
0x33: {  	p0 =	seq.s32 s10, $0x1;
	s10 =	sld [smem:$0x3FA4];
	_ =	sdelay $0x3  }
0x34: {  	[smem:$0x3FA4] =	sst s10  }
0x35: {  	s10 =	sld [smem:$0x3FA3];
	_ =	sdelay $0x3  }
0x36: {  	p1 =	seq.s32 s10, $0x1;
	s10 =	sld [smem:$0x3FA4];
	_ =	sdelay $0x3  }
0x37: {  	[smem:$0x3FA4] =	sst s10  }
0x38: {  	s10 =	sld [smem:$0x3FA5]  }
0x39: {  	_ = 	snop;
	(pc) =	sbr.ind lr, $3  }
0x3a: {  	_ = 	snop  }
0x3b: {  	_ = 	snop  }
0x3c: {  	p2 =	seq.s32 s10, $0x1;
	s10 =	sld [smem:$0x3FA4]  }
0x3d: {  	_ =	shalt  }
0x3e: {  	_ =	shalt  }
0x3f: {  	_ =	shalt  }
0x40: {  	_ =	shalt  }
0x41: {  	_ =	shalt  }
0x42: {  	_ =	shalt  }
0x43: {  	_ =	shalt  }
0x44: {  	_ =	shalt  }
0x45: {  	_ =	shalt  }
0x46: {  	_ =	shalt  }
0x47: {  	_ =	shalt  }
0x48: {  	_ =	shalt  }
0x49: {  	_ =	shalt  }
0x4a: {  	_ =	shalt  }
0x4b: {  	_ =	shalt  }
0x4c: {  	_ =	shalt  }
0x4d: {  	_ =	shalt  }
0x4e: {  	_ =	shalt  }
0x4f: {  	_ =	shalt  }
0x50: {  	_ =	shalt  }
0x51: {  	_ =	shalt  }
0x52: {  	_ =	shalt  }
0x53: {  	_ =	shalt  }
0x54: {  	_ =	shalt  }
0x55: {  	_ =	shalt  }
0x56: {  	_ =	shalt  }
0x57: {  	_ =	shalt  }
0x58: {  	_ =	shalt  }
0x59: {  	_ =	shalt  }
0x5a: {  	_ =	shalt  }
0x5b: {  	_ =	shalt  }
0x5c: {  	_ =	shalt  }
0x5d: {  	_ =	shalt  }
0x5e: {  	_ =	shalt  }
0x5f: {  	_ =	shalt  }
0x60: {  	_ =	shalt  }
0x61: {  	_ =	shalt  }
0x62: {  	_ =	shalt  }
0x63: {  	_ =	shalt  }
0x64: {  	_ =	shalt  }
0x65: {  	_ =	shalt  }
0x66: {  	_ =	shalt  }
0x67: {  	_ =	shalt  }
0x68: {  	_ =	shalt  }
0x69: {  	_ =	shalt  }
0x6a: {  	_ =	shalt  }
0x6b: {  	_ =	shalt  }
0x6c: {  	_ =	shalt  }
0x6d: {  	_ =	shalt  }
0x6e: {  	_ =	shalt  }
0x6f: {  	_ =	shalt  }
0x70: {  	_ =	shalt  }
0x71: {  	_ =	shalt  }
0x72: {  	_ =	shalt  }
0x73: {  	_ =	shalt  }
0x74: {  	_ =	shalt  }
0x75: {  	_ =	shalt  }
0x76: {  	_ =	shalt  }
0x77: {  	_ =	shalt  }
0x78: {  	_ =	shalt  }
0x79: {  	_ =	shalt  }
0x7a: {  	_ =	shalt  }
0x7b: {  	_ =	shalt  }
0x7c: {  	_ =	shalt  }
0x7d: {  	_ =	shalt  }
0x7e: {  	_ =	shalt  }
0x7f: {  	_ =	shalt  }
0x80: {  	_ =	shalt  }
0x81: {  	_ =	shalt  }
0x82: {  	_ =	shalt  }
0x83: {  	_ =	shalt  }
0x84: {  	_ =	shalt  }
0x85: {  	_ =	shalt  }
0x86: {  	_ =	shalt  }
0x87: {  	_ =	shalt  }
.Lfunc_end0:
.L_simem_size_0:
called_computation_lowered:
.L_overlay_start_0:
0x88: {  	s2 =	sld [smem:$0x3FD9]  }
0x89: {  	s3 =	sld [smem:$0x3FFE];
	_ =	sdelay $0x1  }
0x8a: {  	s1 =	srdreg.scid  }
0x8b: {  	s0 =	sand.u32 $0x1, s1  }
0x8c: {  	s17 =	sshll.u32 s0, $0xA;
	s2 =	sadd.s32 s3, s2  }
0x8d: {  	s2 =	sadd.s32 s2, s17  }
0x8e: {  	[smem:$0x3FB0] =	sst s2  }
0x8f: {  	_ = 	snop  }
0x90: {  	s2 =	sld [smem:$0x3FC9];
	(tm) =	ssettm $0x1  }
0x91: {  	s18 =	sld [smem:$0x3FFB];
	_ =	sdelay $0x3  }
0x92: {  	_ =	strace s18  }
0x93: {  	s3 =	sld [smem:$0x3FFC];
	_ =	sdelay $0x3  }
0x94: {  	_ =	strace s3  }
0x95: {  	s3 =	sld [smem:$0x3FFD];
	_ =	sdelay $0x3  }
0x96: {  	_ =	strace s3  }
0x97: {  	_ =	strace $0x8FFFFFFF  }
0x98: {  	s19 =	sld [smem:$0x3FDB];
	_ =	sdelay $0x1  }
0x99: {  	s4 =	simm.s32 $_scs_section_size  }
0x9a: {  	s5 =	simm.s32 $_size__tile_overlayer_lowered;
	s6 =	simm.s32 $_tile_overlayer_lowered  }
0x9b: {  	s22 =	simm.s32 $0x1BFF;
	s21 =	sshll.u32 s6, $0x1;
	s3 =	sadd.s32 s4, s19  }
0x9c: {  	s7 =	simm.s32 $0x0;
	s20 =	sshll.u32 s5, $0x1;
	s5 =	sadd.s32 s21, s3  }
0x9d: {  	[timem:s7], [sflag:s22] =	dma.local [hbm:s5], s20  }
0x9e: {  	_ =	swait.ge [sflag:s22], s20  }
0x9f: {  	s4 =	ssub.s32 $0x0, s20;
	[sflag:s22] =	ssyncset.done $0x0  }
0xa0: {  	[sflag:s22] =	ssyncadd.s32 s4;
	_ =	sdelay $0x1  }
0xa1: {  	s23 =	simm.s32 $0x1B8B  }
0xa2: {  	_ =	swait.ge [sflag:s23], $0x1  }
0xa3: {  	[sflag:s23] =	ssyncset.done $0x0  }
0xa4: {  	s25 =	simm.s32 $0x1B8E;
	s24 =	sld [smem:$0x3FFE];
	[sflag:s23] =	ssyncadd.s32 $0xFFFFFFFF  }
0xa5: {  	s26 =	simm.s32 $execute0_lowered;
	[smem:$0x3FD2] =	sst s25  }
0xa6: {  	s5 =	sshll.u32 s26, $0x1;
	_ =	strace $0x80000046;
	[dreg:$0x1] =	wrdreg $0xFFFFFFFF  }
0xa7: {  	s28 =	simm.s32 $_size_execute0_lowered;
	s3 =	sadd.s32 s3, s5;
	[dreg:$0x0] =	wrdreg $0x0  }
0xa8: {  	s5 =	sshll.u32 s28, $0x1;
	[dreg:$0x2] =	wrdreg s3  }
0xa9: {  	[dreg:$0x3] =	wrdreg s5  }
0xaa: {  	[dreg:$0x4] =	wrdreg $0xC0  }
0xab: {  	_ =	task [dreg:s7], $0x5FFFF  }
0xac: {  	[dreg:$0x1] =	wrdreg $0xFFFFFFFF  }
0xad: {  	[dreg:$0x0] =	wrdreg $0x60  }
0xae: {  	[dreg:$0x2] =	wrdreg s2  }
0xaf: {  	[dreg:$0x3] =	wrdreg s24  }
0xb0: {  	[dreg:$0x4] =	wrdreg $0x0  }
0xb1: {  	[dreg:$0x5] =	wrdreg $0x9  }
0xb2: {  	_ =	task.clear_ibuf [dreg:s7], $0x6FFFF;
	_ =	strace $0x90000046  }
0xb3: {  	s29 =	simm.s32 $0x9;
	_ =	strace $0x80000048  }
0xb4: {  	_ =	swait.ge [sflag:s29], $0x1  }
0xb5: {  	[sflag:s29] =	ssyncadd.s32 $0xFFFFFFFF  }
0xb6: {  	_ =	strace $0x90000048  }
0xb7: {  	_ =	sfence  }
0xb8: {  	s30 =	sld [smem:$0x0];
	_ =	sdelay $0x2  }
0xb9: {  	s31 =	sshll.u32 s1, $0xD;
	s1 =	sshrl.u32 s1, $0x2  }
0xba: {  	s3 =	sand.u32 $0x4000, s31;
	s1 =	sadd.s32 s1, s30  }
0xbb: {  	s0 =	sor.u32 s3, s0;
	s1 =	sshll.u32 s1, $0x11  }
0xbc: {  	s0 =	sor.u32 s1, s0  }
0xbd: {  	s0 =	sadd.s32 $0x8F2B, s0  }
0xbe: {  	[sflag:s0] =	ssyncadd.remote.s32 $0x1  }
0xbf: {  	_ =	sfence.sel $0xFFFF  }
0xc0: {  	[dreg:$0x0] =	wrdreg $0xFFFFFFFF;
	(pc) =	sbr.abs _section_cstart, $3  }
0xc1: {  	[dreg:$0x1] =	wrdreg $0xFFFFFFFF  }
0xc2: {  	_ =	task.clear_ibuf [dreg:s7], $0x2FFFF;
	_ =	strace $0x9FFFFFFF  }
0xc3: {  	(tm) =	ssettm $0x7FFFFFFF  }
tec
execute0_lowered:
.L_overlay_start_1:
0x0: {  	(tag) =	ssettag $0x1  }
0x1: {  	s19 =	stileid.u32  }
0x2: {  	s8 =	smul.u32 $0x500, s19  }
0x3: {  	s2 =	srdreg.scid;
	s6 =	sshrl.u32 s19, $0x2;
	s17 =	smul.u32 $0xA000, s19  }
0x4: {  	s2 =	sand.u32 $0x1, s2;
	s6 =	smul.u32 $0x13C00, s6  }
0x5: {  	s1 =	rddreg [dreg:$0x0];
	s9 =	sor.u32 $0x10, s19;
	s15 =	smul.u32 $0x27100, s2  }
0x6: {  	s0 =	rddreg [dreg:$0x1];
	s20 =	sor.u32 $0x20, s19;
	s18 =	smul.u32 $0xA000, s9  }
0x7: {  	s3 =	rddreg [dreg:$0x2];
	s4 =	sshll.u32 s19, $0x1;
	s22 =	smul.u32 $0x500, s20  }
0x8: {  	s11 =	sor.u32 $0x30, s19;
	s14 =	sor.u32 $0x40, s19;
	s10 =	smul.u32 $0xA000, s20  }
0x9: {  	s25 =	sor.u32 $0x50, s19;
	s5 =	sor.u32 s2, s4;
	s13 =	smul.u32 $0xA000, s11  }
0xa: {  	s4 =	simm.s32 $0x0;
	s2 =	ssub.s32 $0x2, s2;
	s23 =	smul.u32 $0xA000, s14  }
0xb: {  	s7 =	sshll.u32 s5, $0x7;
	[smem:$0x7FF] =	sst s4;
	s5 =	sshll.u32 s5, $0xB  }
0xc: {  	s16 =	sshrl.u32 s2, $0x1;
	s21 =	sadd.s32 s1, s8;
	s7 =	sand.u32 $0x380, s7  }
0xd: {  	_ =	strace $0x80000047;
	s5 =	sadd.s32 s5, s0;
	s2 =	ssub.s32 s2, s16  }
0xe: {  	[dreg:$0x7] =	wrdreg s21;
	s12 =	sshrl.u32 s10, $0x2;
	s24 =	sshrl.u32 s13, $0x2  }
0xf: {  	s16 =	smul.u32 $0x500, s14;
	s21 =	sadd.s32 s1, s22;
	s6 =	sor.u32 s6, s7  }
0x10: {  	s5 =	sadd.s32 $0x4400, s5;
	s2 =	smax.u32 s2, $0x1;
	s7 =	sshrl.u32 s17, $0x2  }
0x11: {  	s17 =	sor.u32 $0x60, s19;
	[dreg:$0x5] =	wrdreg s5;
	s5 =	smul.u32 $0x500, s9  }
0x12: {  	s19 =	sor.u32 $0x70, s19;
	s9 =	sadd.s32 s7, s3;
	s7 =	smul.u32 $0x500, s11  }
0x13: {  	[dreg:$0xb] =	wrdreg s21;
	s6 =	sshrl.u32 s6, $0x3;
	s26 =	smul.u32 $0xA000, s17  }
0x14: {  	[dreg:$0x6] =	wrdreg s2;
	s11 =	sadd.s32 s12, s3;
	s20 =	smul.u32 $0xA000, s19  }
0x15: {  	s12 =	sadd.s32 s24, s3;
	s17 =	smul.u32 $0x500, s17;
	p0 =	sgt.u32 s19, $0x7C  }
0x16: {  	s24 =	sadd.s32 s1, s16;
	s6 =	sadd.s32 s6, s0;
	s0 =	sadd.s32 s15, s0  }
0x17: {  	s15 =	smul.u32 $0xA000, s25;
	[dreg:$0xf] =	wrdreg s24;
	s6 =	sadd.s32 $0x14400, s6  }
0x18: {  	s0 =	sadd.s32 $0x1E200, s0;
	s28 =	sadd.s32 s1, s17;
	[dreg:$0x4] =	wrdreg s6  }
0x19: {  	s6 =	sshrl.u32 s18, $0x2;
	s18 =	smul.u32 $0x500, s25;
	s15 =	sshrl.u32 s15, $0x2  }
0x1a: {  	s8 =	sadd.s32 s0, s8;
	s2 =	sadd.s32 s0, s22;
	s22 =	sadd.s32 s1, s7  }
0x1b: {  	s25 =	sadd.s32 s0, s16;
	s29 =	sadd.s32 s0, s17;
	[dreg:$0x8] =	wrdreg s8  }
0x1c: {  	s16 =	simm.s32 $0x50;
	s17 =	simm.s32 $0x1C800;
	[dreg:$0xc] =	wrdreg s2  }
0x1d: {  	s10 =	sadd.s32 s6, s3;
	s6 =	sshrl.u32 s23, $0x2;
	[dreg:$0xd] =	wrdreg s22  }
0x1e: {  	s14 =	sadd.s32 s15, s3;
	s23 =	sadd.s32 s0, s7;
	[dreg:$0x10] =	wrdreg s25  }
0x1f: {  	s7 =	simm.s32 $0x4;
	s8 =	simm.s32 $0x3;
	s13 =	sadd.s32 s6, s3  }
0x20: {  	s6 =	sshrl.u32 s26, $0x2;
	[dreg:$0xe] =	wrdreg s23;
	s26 =	sadd.s32 s1, s18  }
0x21: {  	s15 =	sadd.s32 s6, s3;
	s6 =	smul.u32 $0x500, s19;
	s19 =	sshrl.u32 s20, $0x2  }
0x22: {  	s20 =	sadd.s32 s1, s5;
	s5 =	sadd.s32 s0, s5;
	[dreg:$0x11] =	wrdreg s26  }
0x23: {  	s26 =	sadd.s32 s0, s18;
	s18 =	simm.s32 $0x1;
	[dreg:$0x9] =	wrdreg s20  }
0x24: {  	[dreg:$0xa] =	wrdreg s5;
	s2 =	sadd.s32 s19, s3;
	s5 =	simm.s32 $0x1A000  }
0x25: {  	s19 =	simm.s32 $0x2;
	s20 =	simm.s32 $0x0;
	s30 =	sadd.s32 s0, s6  }
0x26: {  	s31 =	sadd.s32 s1, s6;
	s0 =	simm.s32 $0x13880;
	s6 =	simm.s32 $0x5  }
.LBB2_1:
0x27: {  	s21 =	rddreg [dreg:$0x4];
	s22 =	simm.s32 $0x80;
	s23 =	simm.s32 $0x400  }
0x28: {  	[tilespmem:s0], [sflag:$0x3] =	stream.strided.gather [hbm4b:s21+s22], $0x2780, s23, s22, $0x38;
	[tilespmem:$0x1F000] =	vst v63  }
0x29: {  	s22 =	rddreg [dreg:$0x5];
	s23 =	simm.s32 $0x16000  }
0x2a: {  	[tilespmem:s23], [sflag:$0x3] =	stream.linear.gather [hbm4b:s22+s4], $0x3E80, $0x38;
	[tilespmem:$0x1F000] =	vst v63  }
0x2b: {  	s24 =	rddreg [dreg:$0x7]  }
0x2c: {  	[tilespmem:s5], [sflag:$0x5] =	stream.linear.gather [hbm4b:s24+s4], $0x2800, $0x38;
	[tilespmem:$0x1F000] =	vst v63  }
0x2d: {  	_ =	swait.ge [sflag:s6], $0x2800  }
0x2e: {  	[sflag:s6] =	ssyncset.done $0x0  }
0x2f: {  	[sflag:s6] =	ssyncadd.s32 $0xFFFFD800  }
0x30: {  	[spmem:s9] =	stream.linear.scatter [tilespmem:s5], [sflag:$0x4], $0x2800, $0x38;
	[tilespmem:$0x1F000] =	vst v63  }
0x31: {  	_ =	swait.ge [sflag:s7], $0x2800  }
0x32: {  	[sflag:s7] =	ssyncset.done $0x0  }
0x33: {  	s25 =	rddreg [dreg:$0x9];
	[sflag:s7] =	ssyncadd.s32 $0xFFFFD800  }
0x34: {  	[tilespmem:s5], [sflag:$0x5] =	stream.linear.gather [hbm4b:s25+s4], $0x2800, $0x38;
	[tilespmem:$0x1F000] =	vst v63  }
0x35: {  	_ =	swait.ge [sflag:s6], $0x2800  }
0x36: {  	[sflag:s6] =	ssyncset.done $0x0  }
0x37: {  	[sflag:s6] =	ssyncadd.s32 $0xFFFFD800  }
0x38: {  	[spmem:s10] =	stream.linear.scatter [tilespmem:s5], [sflag:$0x4], $0x2800, $0x38;
	[tilespmem:$0x1F000] =	vst v63  }
0x39: {  	_ =	swait.ge [sflag:s7], $0x2800  }
0x3a: {  	[sflag:s7] =	ssyncset.done $0x0  }
0x3b: {  	s22 =	rddreg [dreg:$0xb];
	[sflag:s7] =	ssyncadd.s32 $0xFFFFD800  }
0x3c: {  	[tilespmem:s5], [sflag:$0x5] =	stream.linear.gather [hbm4b:s22+s4], $0x2800, $0x38;
	[tilespmem:$0x1F000] =	vst v63  }
0x3d: {  	_ =	swait.ge [sflag:s6], $0x2800  }
0x3e: {  	[sflag:s6] =	ssyncset.done $0x0  }
0x3f: {  	[sflag:s6] =	ssyncadd.s32 $0xFFFFD800  }
0x40: {  	[spmem:s11] =	stream.linear.scatter [tilespmem:s5], [sflag:$0x4], $0x2800, $0x38;
	[tilespmem:$0x1F000] =	vst v63  }
0x41: {  	_ =	swait.ge [sflag:s7], $0x2800  }
0x42: {  	[sflag:s7] =	ssyncset.done $0x0  }
0x43: {  	s23 =	rddreg [dreg:$0xd];
	[sflag:s7] =	ssyncadd.s32 $0xFFFFD800  }
0x44: {  	[tilespmem:s5], [sflag:$0x5] =	stream.linear.gather [hbm4b:s23+s4], $0x2800, $0x38;
	[tilespmem:$0x1F000] =	vst v63  }
0x45: {  	_ =	swait.ge [sflag:s6], $0x2800  }
0x46: {  	[sflag:s6] =	ssyncset.done $0x0  }
0x47: {  	[sflag:s6] =	ssyncadd.s32 $0xFFFFD800  }
0x48: {  	[spmem:s12] =	stream.linear.scatter [tilespmem:s5], [sflag:$0x4], $0x2800, $0x38;
	[tilespmem:$0x1F000] =	vst v63  }
0x49: {  	_ =	swait.ge [sflag:s7], $0x2800  }
0x4a: {  	[sflag:s7] =	ssyncset.done $0x0  }
0x4b: {  	s24 =	rddreg [dreg:$0xf];
	[sflag:s7] =	ssyncadd.s32 $0xFFFFD800  }
0x4c: {  	[tilespmem:s5], [sflag:$0x5] =	stream.linear.gather [hbm4b:s24+s4], $0x2800, $0x38;
	[tilespmem:$0x1F000] =	vst v63  }
0x4d: {  	_ =	swait.ge [sflag:s6], $0x2800  }
0x4e: {  	[sflag:s6] =	ssyncset.done $0x0  }
0x4f: {  	[sflag:s6] =	ssyncadd.s32 $0xFFFFD800  }
0x50: {  	[spmem:s13] =	stream.linear.scatter [tilespmem:s5], [sflag:$0x4], $0x2800, $0x38;
	[tilespmem:$0x1F000] =	vst v63  }
0x51: {  	_ =	swait.ge [sflag:s7], $0x2800  }
0x52: {  	[sflag:s7] =	ssyncset.done $0x0  }
0x53: {  	s25 =	rddreg [dreg:$0x11];
	[sflag:s7] =	ssyncadd.s32 $0xFFFFD800  }
0x54: {  	[tilespmem:s5], [sflag:$0x5] =	stream.linear.gather [hbm4b:s25+s4], $0x2800, $0x38;
	[tilespmem:$0x1F000] =	vst v63  }
0x55: {  	_ =	swait.ge [sflag:s6], $0x2800  }
0x56: {  	[sflag:s6] =	ssyncset.done $0x0  }
0x57: {  	[sflag:s6] =	ssyncadd.s32 $0xFFFFD800  }
0x58: {  	[spmem:s14] =	stream.linear.scatter [tilespmem:s5], [sflag:$0x4], $0x2800, $0x38;
	[tilespmem:$0x1F000] =	vst v63  }
0x59: {  	_ =	swait.ge [sflag:s7], $0x2800  }
0x5a: {  	[sflag:s7] =	ssyncset.done $0x0  }
0x5b: {  	[sflag:s7] =	ssyncadd.s32 $0xFFFFD800  }
0x5c: {  	[tilespmem:s5], [sflag:$0x5] =	stream.linear.gather [hbm4b:s28+s4], $0x2800, $0x38;
	[tilespmem:$0x1F000] =	vst v63  }
0x5d: {  	_ =	swait.ge [sflag:s6], $0x2800  }
0x5e: {  	[sflag:s6] =	ssyncset.done $0x0  }
0x5f: {  	[sflag:s6] =	ssyncadd.s32 $0xFFFFD800  }
0x60: {  	[spmem:s15] =	stream.linear.scatter [tilespmem:s5], [sflag:$0x4], $0x2800, $0x38;
	[tilespmem:$0x1F000] =	vst v63  }
0x61: {  	_ =	swait.ge [sflag:s7], $0x2800  }
0x62: {  	[sflag:s7] =	ssyncset.done $0x0  }
0x63: {  	s21 =	simm.s32 @!p0 $0x0;
	s22 =	simm.s32 @!p0 $0x1A000;
	[sflag:s7] =	ssyncadd.s32 $0xFFFFD800  }
0x64: {  	[tilespmem:s22], [sflag:$0x5] =	stream.linear.gather @!p0 [hbm4b:s31+s21], $0x2800, $0x38;
	[tilespmem:$0x1F000] =	vst v63  }
0x65: {  	s21 =	simm.s32 @!p0 $0x5  }
0x66: {  	_ =	swait.ge @!p0 [sflag:s21], $0x2800  }
0x67: {  	[sflag:s21] =	ssyncset.done @!p0 $0x0  }
0x68: {  	[sflag:s21] =	ssyncadd.s32 @!p0 $0xFFFFD800;
	s21 =	simm.s32 @!p0 $0x4  }
0x69: {  	[spmem:s2] =	stream.linear.scatter @!p0 [tilespmem:s22], [sflag:$0x4], $0x2800, $0x38;
	[tilespmem:$0x1F000] =	vst v63  }
0x6a: {  	_ =	swait.ge @!p0 [sflag:s21], $0x2800  }
0x6b: {  	[sflag:s21] =	ssyncset.done @!p0 $0x0  }
0x6c: {  	[sflag:s21] =	ssyncadd.s32 @!p0 $0xFFFFD800  }
0x6d: {  	_ =	swait.ge [sflag:s8], $0x2780  }
0x6e: {  	[sflag:s8] =	ssyncset.done $0x0  }
0x6f: {  	[sflag:s8] =	ssyncadd.s32 $0xFFFFD880  }
0x70: {  	_ =	swait.ge [sflag:s8], $0x3E80  }
0x71: {  	[sflag:s8] =	ssyncset.done $0x0  }
0x72: {  	[sflag:s8] =	ssyncadd.s32 $0xFFFFC180  }
0x73: {  	[bflag:$0x0] =	sbarrier.arrive $0xFFFF  }
0x74: {  	[tilespmem:s5], [sflag:$0x1] =	stream.indirect.gather [hbm4b:s1+s16], $0x80, s0, s16, $0xb8;
	[tilespmem:$0x1F000] =	vst v63  }
0x75: {  	s22 =	simm.s32 $0x138D0  }
0x76: {  	[tilespmem:s17], [sflag:$0x2] =	stream.indirect.gather [hbm4b:s1+s16], $0x80, s22, s16, $0xb8;
	[tilespmem:$0x1F000] =	vst v63  }
0x77: {  	_ =	swait.ge [sflag:s18], $0x2800  }
0x78: {  	[sflag:s18] =	ssyncset.done $0x0  }
0x79: {  	s23 =	simm.s32 $0x16000;
	[sflag:s18] =	ssyncadd.s32 $0xFFFFD800  }
0x7a: {  	[spmem:s3] =	stream.indirect.scatter.add.f32 [tilespmem:s5], [sflag:$0x4], $0x80, s23, s16, $0xb8;
	[tilespmem:$0x1F000] =	vst v63  }
0x7b: {  	_ =	swait.ge [sflag:s7], $0x2800  }
0x7c: {  	[sflag:s7] =	ssyncset.done $0x0  }
0x7d: {  	s24 =	simm.s32 $0x13920;
	[sflag:s7] =	ssyncadd.s32 $0xFFFFD800  }
0x7e: {  	[tilespmem:s5], [sflag:$0x1] =	stream.indirect.gather [hbm4b:s1+s16], $0x80, s24, s16, $0xb8;
	[tilespmem:$0x1F000] =	vst v63  }
0x7f: {  	_ =	swait.ge [sflag:s19], $0x2800  }
0x80: {  	[sflag:s19] =	ssyncset.done $0x0  }
0x81: {  	s25 =	simm.s32 $0x16080;
	[sflag:s19] =	ssyncadd.s32 $0xFFFFD800  }
0x82: {  	[spmem:s3] =	stream.indirect.scatter.add.f32 [tilespmem:s17], [sflag:$0x4], $0x80, s25, s16, $0xb8;
	[tilespmem:$0x1F000] =	vst v63  }
0x83: {  	_ =	swait.ge [sflag:s7], $0x2800  }
0x84: {  	s21 =	simm.s32 $0x13970;
	[sflag:s7] =	ssyncset.done $0x0  }
0x85: {  	s22 =	simm.s32 $0x400;
	s23 =	simm.s32 $0x13A10;
	[sflag:s7] =	ssyncadd.s32 $0xFFFFD800  }
.LBB2_2:
0x86: {  	[tilespmem:s17], [sflag:$0x2] =	stream.indirect.gather [hbm4b:s1+s16], $0x80, s21, s16, $0xb8;
	[tilespmem:$0x1F000] =	vst v63  }
0x87: {  	s24 =	smov.u32 s22;
	s21 =	smov.u32 s23  }
0x88: {  	p1 =	sne.s32 s22, $0xF000;
	s22 =	sadd.s32 $0x400, s22;
	_ =	swait.ge [sflag:s18], $0x2800  }
0x89: {  	s24 =	sshra.s32 s24, $0x2;
	[sflag:s18] =	ssyncset.done $0x0  }
0x8a: {  	s25 =	sadd.s32 $0x16000, s24;
	[sflag:s18] =	ssyncadd.s32 $0xFFFFD800  }
0x8b: {  	[spmem:s3] =	stream.indirect.scatter.add.f32 [tilespmem:s5], [sflag:$0x4], $0x80, s25, s16, $0xb8;
	[tilespmem:$0x1F000] =	vst v63  }
0x8c: {  	_ =	swait.ge [sflag:s7], $0x2800  }
0x8d: {  	[sflag:s7] =	ssyncset.done $0x0  }
0x8e: {  	s25 =	sadd.s32 $0xFFFFFFB0, s23;
	[sflag:s7] =	ssyncadd.s32 $0xFFFFD800  }
0x8f: {  	[tilespmem:s5], [sflag:$0x1] =	stream.indirect.gather [hbm4b:s1+s16], $0x80, s25, s16, $0xb8;
	[tilespmem:$0x1F000] =	vst v63  }
0x90: {  	_ =	swait.ge [sflag:s19], $0x2800  }
0x91: {  	[sflag:s19] =	ssyncset.done $0x0  }
.Ltmp0:
0x92: {  	s24 =	sadd.s32 $0x16080, s24;
	[sflag:s19] =	ssyncadd.s32 $0xFFFFD800;
	(pc) =	sbr.rel @p1 .LBB2_2-.Ltmp0, $4  }
0x93: {  	[spmem:s3] =	stream.indirect.scatter.add.f32 [tilespmem:s17], [sflag:$0x4], $0x80, s24, s16, $0xb8;
	[tilespmem:$0x1F000] =	vst v63  }
0x94: {  	_ =	swait.ge [sflag:s7], $0x2800  }
0x95: {  	[sflag:s7] =	ssyncset.done $0x0  }
0x96: {  	s23 =	sadd.s32 $0xA0, s23;
	[sflag:s7] =	ssyncadd.s32 $0xFFFFD800  }
0x97: {  	[tilespmem:s17], [sflag:$0x2] =	stream.indirect.gather [hbm4b:s1+s16], $0x80, s21, s16, $0xb8;
	[tilespmem:$0x1F000] =	vst v63  }
0x98: {  	_ =	swait.ge [sflag:s18], $0x2800  }
0x99: {  	[sflag:s18] =	ssyncset.done $0x0  }
0x9a: {  	s24 =	simm.s32 $0x19D00;
	[sflag:s18] =	ssyncadd.s32 $0xFFFFD800  }
0x9b: {  	[spmem:s3] =	stream.indirect.scatter.add.f32 [tilespmem:s5], [sflag:$0x4], $0x80, s24, s16, $0xb8;
	[tilespmem:$0x1F000] =	vst v63  }
0x9c: {  	_ =	swait.ge [sflag:s7], $0x2800  }
0x9d: {  	[sflag:s7] =	ssyncset.done $0x0  }
0x9e: {  	s25 =	simm.s32 $0x15F40;
	[sflag:s7] =	ssyncadd.s32 $0xFFFFD800  }
0x9f: {  	[tilespmem:s5], [sflag:$0x1] =	stream.indirect.gather [hbm4b:s1+s16], $0x80, s25, s16, $0xb8;
	[tilespmem:$0x1F000] =	vst v63  }
0xa0: {  	_ =	swait.ge [sflag:s19], $0x2800  }
0xa1: {  	[sflag:s19] =	ssyncset.done $0x0  }
0xa2: {  	s22 =	simm.s32 $0x19D80;
	[sflag:s19] =	ssyncadd.s32 $0xFFFFD800  }
0xa3: {  	[spmem:s3] =	stream.indirect.scatter.add.f32 [tilespmem:s17], [sflag:$0x4], $0x80, s22, s16, $0xb8;
	[tilespmem:$0x1F000] =	vst v63  }
0xa4: {  	_ =	swait.ge [sflag:s7], $0x2800  }
0xa5: {  	[sflag:s7] =	ssyncset.done $0x0  }
0xa6: {  	[sflag:s7] =	ssyncadd.s32 $0xFFFFD800  }
0xa7: {  	_ =	swait.ge [sflag:s18], $0x2800  }
0xa8: {  	[sflag:s18] =	ssyncset.done $0x0  }
0xa9: {  	s23 =	simm.s32 $0x19E00;
	[sflag:s18] =	ssyncadd.s32 $0xFFFFD800  }
0xaa: {  	[spmem:s3] =	stream.indirect.scatter.add.f32 [tilespmem:s5], [sflag:$0x4], $0x80, s23, s16, $0xb8;
	[tilespmem:$0x1F000] =	vst v63  }
0xab: {  	_ =	swait.ge [sflag:s7], $0x2800  }
0xac: {  	[sflag:s7] =	ssyncset.done $0x0  }
0xad: {  	[sflag:s7] =	ssyncadd.s32 $0xFFFFD800  }
0xae: {  	[bflag:$0x0] =	sbarrier.arrive $0xFFFF  }
0xaf: {  	[tilespmem:s5], [sflag:$0x5] =	stream.linear.gather [spmem:s9], $0x2800, $0x38;
	[tilespmem:$0x1F000] =	vst v63  }
0xb0: {  	_ =	swait.ge [sflag:s6], $0x2800  }
0xb1: {  	[sflag:s6] =	ssyncset.done $0x0  }
0xb2: {  	s24 =	rddreg [dreg:$0x8];
	[sflag:s6] =	ssyncadd.s32 $0xFFFFD800  }
0xb3: {  	[hbm4b:s24+s4] =	stream.linear.scatter [tilespmem:s5], [sflag:$0x4], $0x2800, $0x38;
	[tilespmem:$0x1F000] =	vst v63  }
0xb4: {  	_ =	swait.ge [sflag:s7], $0x2800  }
0xb5: {  	[sflag:s7] =	ssyncset.done $0x0  }
0xb6: {  	[sflag:s7] =	ssyncadd.s32 $0xFFFFD800  }
0xb7: {  	[tilespmem:s5], [sflag:$0x5] =	stream.linear.gather [spmem:s10], $0x2800, $0x38;
	[tilespmem:$0x1F000] =	vst v63  }
0xb8: {  	_ =	swait.ge [sflag:s6], $0x2800  }
0xb9: {  	[sflag:s6] =	ssyncset.done $0x0  }
0xba: {  	s25 =	rddreg [dreg:$0xa];
	[sflag:s6] =	ssyncadd.s32 $0xFFFFD800  }
0xbb: {  	[hbm4b:s25+s4] =	stream.linear.scatter [tilespmem:s5], [sflag:$0x4], $0x2800, $0x38;
	[tilespmem:$0x1F000] =	vst v63  }
0xbc: {  	_ =	swait.ge [sflag:s7], $0x2800  }
0xbd: {  	[sflag:s7] =	ssyncset.done $0x0  }
0xbe: {  	[sflag:s7] =	ssyncadd.s32 $0xFFFFD800  }
0xbf: {  	[tilespmem:s5], [sflag:$0x5] =	stream.linear.gather [spmem:s11], $0x2800, $0x38;
	[tilespmem:$0x1F000] =	vst v63  }
0xc0: {  	_ =	swait.ge [sflag:s6], $0x2800  }
0xc1: {  	[sflag:s6] =	ssyncset.done $0x0  }
0xc2: {  	s22 =	rddreg [dreg:$0xc];
	[sflag:s6] =	ssyncadd.s32 $0xFFFFD800  }
0xc3: {  	[hbm4b:s22+s4] =	stream.linear.scatter [tilespmem:s5], [sflag:$0x4], $0x2800, $0x38;
	[tilespmem:$0x1F000] =	vst v63  }
0xc4: {  	_ =	swait.ge [sflag:s7], $0x2800  }
0xc5: {  	[sflag:s7] =	ssyncset.done $0x0  }
0xc6: {  	[sflag:s7] =	ssyncadd.s32 $0xFFFFD800  }
0xc7: {  	[tilespmem:s5], [sflag:$0x5] =	stream.linear.gather [spmem:s12], $0x2800, $0x38;
	[tilespmem:$0x1F000] =	vst v63  }
0xc8: {  	_ =	swait.ge [sflag:s6], $0x2800  }
0xc9: {  	[sflag:s6] =	ssyncset.done $0x0  }
0xca: {  	s23 =	rddreg [dreg:$0xe];
	[sflag:s6] =	ssyncadd.s32 $0xFFFFD800  }
0xcb: {  	[hbm4b:s23+s4] =	stream.linear.scatter [tilespmem:s5], [sflag:$0x4], $0x2800, $0x38;
	[tilespmem:$0x1F000] =	vst v63  }
0xcc: {  	_ =	swait.ge [sflag:s7], $0x2800  }
0xcd: {  	[sflag:s7] =	ssyncset.done $0x0  }
0xce: {  	[sflag:s7] =	ssyncadd.s32 $0xFFFFD800  }
0xcf: {  	[tilespmem:s5], [sflag:$0x5] =	stream.linear.gather [spmem:s13], $0x2800, $0x38;
	[tilespmem:$0x1F000] =	vst v63  }
0xd0: {  	_ =	swait.ge [sflag:s6], $0x2800  }
0xd1: {  	[sflag:s6] =	ssyncset.done $0x0  }
0xd2: {  	s24 =	rddreg [dreg:$0x10];
	[sflag:s6] =	ssyncadd.s32 $0xFFFFD800  }
0xd3: {  	[hbm4b:s24+s4] =	stream.linear.scatter [tilespmem:s5], [sflag:$0x4], $0x2800, $0x38;
	[tilespmem:$0x1F000] =	vst v63  }
0xd4: {  	_ =	swait.ge [sflag:s7], $0x2800  }
0xd5: {  	[sflag:s7] =	ssyncset.done $0x0  }
0xd6: {  	[sflag:s7] =	ssyncadd.s32 $0xFFFFD800  }
0xd7: {  	[tilespmem:s5], [sflag:$0x5] =	stream.linear.gather [spmem:s14], $0x2800, $0x38;
	[tilespmem:$0x1F000] =	vst v63  }
0xd8: {  	_ =	swait.ge [sflag:s6], $0x2800  }
0xd9: {  	[sflag:s6] =	ssyncset.done $0x0  }
0xda: {  	[sflag:s6] =	ssyncadd.s32 $0xFFFFD800  }
0xdb: {  	[hbm4b:s26+s4] =	stream.linear.scatter [tilespmem:s5], [sflag:$0x4], $0x2800, $0x38;
	[tilespmem:$0x1F000] =	vst v63  }
0xdc: {  	_ =	swait.ge [sflag:s7], $0x2800  }
0xdd: {  	[sflag:s7] =	ssyncset.done $0x0  }
0xde: {  	[sflag:s7] =	ssyncadd.s32 $0xFFFFD800  }
0xdf: {  	[tilespmem:s5], [sflag:$0x5] =	stream.linear.gather [spmem:s15], $0x2800, $0x38;
	[tilespmem:$0x1F000] =	vst v63  }
0xe0: {  	_ =	swait.ge [sflag:s6], $0x2800  }
0xe1: {  	[sflag:s6] =	ssyncset.done $0x0  }
0xe2: {  	[sflag:s6] =	ssyncadd.s32 $0xFFFFD800  }
0xe3: {  	[hbm4b:s29+s4] =	stream.linear.scatter [tilespmem:s5], [sflag:$0x4], $0x2800, $0x38;
	[tilespmem:$0x1F000] =	vst v63  }
0xe4: {  	_ =	swait.ge [sflag:s7], $0x2800  }
0xe5: {  	[sflag:s7] =	ssyncset.done $0x0  }
0xe6: {  	s21 =	simm.s32 @!p0 $0x1A000;
	s22 =	simm.s32 @!p0 $0x5;
	[sflag:s7] =	ssyncadd.s32 $0xFFFFD800  }
0xe7: {  	[tilespmem:s21], [sflag:$0x5] =	stream.linear.gather @!p0 [spmem:s2], $0x2800, $0x38;
	[tilespmem:$0x1F000] =	vst v63  }
0xe8: {  	_ =	swait.ge @!p0 [sflag:s22], $0x2800  }
0xe9: {  	[sflag:s22] =	ssyncset.done @!p0 $0x0  }
0xea: {  	[sflag:s22] =	ssyncadd.s32 @!p0 $0xFFFFD800;
	s22 =	simm.s32 @!p0 $0x0  }
0xeb: {  	[hbm4b:s30+s22] =	stream.linear.scatter @!p0 [tilespmem:s21], [sflag:$0x4], $0x2800, $0x38;
	[tilespmem:$0x1F000] =	vst v63  }
0xec: {  	s21 =	simm.s32 @!p0 $0x4  }
0xed: {  	_ =	swait.ge @!p0 [sflag:s21], $0x2800  }
0xee: {  	s20 =	sadd.s32 $0x1, s20;
	s25 =	rddreg [dreg:$0x6]  }
0xef: {  	p1 =	sne.s32 s20, s25  }
.Ltmp1:
0xf0: {  	_ = 	snop;
	(pc) =	sbr.rel @p1 .LBB2_1-.Ltmp1, $3  }
0xf1: {  	_ =	sdelay $0x1  }
0xf2: {  	[sflag:s21] =	ssyncset.done @!p0 $0x0  }
0xf3: {  	[sflag:s21] =	ssyncadd.s32 @!p0 $0xFFFFD800  }
0xf4: {  	_ =	sfence.sel $0x180000  }
0xf5: {  	[bflag:$0x0] =	sbarrier.arrive $0xFFFF  }
0xf6: {  	_ =	strace $0x90000047  }
0xf7: {  	s0 =	stileid.u32;
	[bflag:$0x2] =	sbarrier.arrive $0xFFFF  }
0xf8: {  	p0 =	sne.s32 s0, $0x0;
	s0 =	rddreg [dreg:$0x3]  }
0xf9: {  	s0 =	sadd.s32 @!p0 $0x100000, s0  }
0xfa: {  	[sflag:s0] =	ssyncadd.tile.s32 @!p0 $0x1;
	_ =	shalt  }
.Lfunc_end2:
_tile_overlayer_lowered:
.L_overlay_start_2:
0xfb: {  	(tag) =	ssettag $0x2  }
0xfc: {  	s0 =	rddreg [dreg:$0x0];
	s2 =	stileid.u32  }
0xfd: {  	s1 =	rddreg [dreg:$0x1];
	p0 =	sne.s32 s2, $0x0  }
0xfe: {  	s3 =	rddreg [dreg:$0x2];
	[bflag:$0x3] =	sbarrier.arrive $0xFFFF;
	s2 =	simm.s32 @!p0 $0x1C04  }
0xff: {  	[timem:s3], [sflag:s2] =	dma.local @!p0 [hbm:s0], s1  }
0x100: {  	s0 =	simm.s32 @!p0 $0x4  }
0x101: {  	_ =	swait.ge @!p0 [sflag:s0], s1  }
0x102: {  	s1 =	ssub.s32 @!p0 $0x0, s1;
	[sflag:s0] =	ssyncset.done @!p0 $0x0  }
0x103: {  	[sflag:s0] =	ssyncadd.s32 @!p0 s1  }
0x104: {  	[bflag:$0x3] =	sbarrier.arrive $0xFFFF  }
0x105: {  	_ =	shalt  }

// kernel: kernel.14.cloned.1.call-start
scs
__scs_entry_jumppad:
0x0: {  	(pc) =	sbr.rel $0x88, $3  }
0x1: {  	(tag) =	ssettag $0x0;
	lr =	simm.s32 $0x1  }
0x2: {  	[smem:$0x3F89] =	sst lr;
	_ =	strace $0xD0000000  }
0x3: {  	_ = 	snop  }
0x4: {  	_ = 	snop  }
0x5: {  	_ = 	snop  }
0x6: {  	_ = 	snop  }
0x7: {  	_ = 	snop  }
__scs_overlays_trampoline_lowered:
0x8: {  	[smem:$0x3F98] =	sst s0  }
0x9: {  	[smem:$0x3F99] =	sst s1  }
0xa: {  	[smem:$0x3F9A] =	sst s2  }
0xb: {  	[smem:$0x3F9B] =	sst s3  }
0xc: {  	[smem:$0x3F9C] =	sst s4  }
0xd: {  	[smem:$0x3F9D] =	sst s5  }
0xe: {  	[smem:$0x3F9E] =	sst s6  }
0xf: {  	[smem:$0x3F9F] =	sst s7  }
0x10: {  	[smem:$0x3FA0] =	sst s8  }
0x11: {  	[smem:$0x3FA1] =	sst s9;
	s0 =	simm.s32 @!p0 $0x0  }
0x12: {  	s1 =	sld [smem:$0x3F87];
	s0 =	simm.s32 @p0 $0x1  }
0x13: {  	[smem:$0x3FA2] =	sst s0;
	s0 =	simm.s32 @!p1 $0x0  }
0x14: {  	s2 =	sld [smem:$0x3F86];
	s0 =	simm.s32 @p1 $0x1  }
0x15: {  	[smem:$0x3FA3] =	sst s0;
	s0 =	simm.s32 @!p2 $0x0  }
0x16: {  	s3 =	sld [smem:$0x3FDB];
	s0 =	simm.s32 @p2 $0x1  }
0x17: {  	s4 =	simm.s32 $0x1BF5;
	[smem:$0x3FA5] =	sst s0  }
0x18: {  	s0 =	sld [smem:$0x3F88];
	_ =	swait.ge [sflag:s4], $0x0  }
0x19: {  	s7 =	sld [smem:$0x3F89]  }
0x1a: {  	s8 =	sadd.s32 $0xFFFFE003, lr  }
0x1b: {  	s9 =	sadd.s32 $0xFFFFFEF7, lr;
	s5 =	simm.s32 $0xFFFFFFFF;
	p2 =	slt.u32 s8, $0xFFFFF086  }
0x1c: {  	p1 =	slt.u32 s9, $0xF7A;
	s5 =	simm.s32 @!p2 $0x0  }
0x1d: {  	s5 =	simm.s32 @p1 $0x1;
	p0 =	seq.s32 s7, s2  }
0x1e: {  	s7 =	smul.u32 @!p0 $0xF7A, s2;
	p2 =	seq.s32 @!p0 s5, $0x0  }
0x1f: {  	s9 =	smul.u32 $0xF7A, s1;
	s8 =	simm.s32 @!p0 $0x1BF5;
	p2 =	por !p2, p0  }
0x20: {  	[sflag:s8] =	ssyncset.s32 @!p0 $0xFFFFF086;
	s6 =	sadd.s32 @!p0 s3, s7;
	s7 =	simm.s32 @!p0 $0x108  }
0x21: {  	s3 =	sadd.s32 s3, s9;
	s6 =	sadd.s32 @!p0 $0x88, s6;
	s7 =	simm.s32 @p2 $0x1082  }
0x22: {  	[simem:s7], [sflag:s8] =	dma.local @!p0 [hbm:s6], $0xF7A  }
0x23: {  	s9 =	sor.u32 $0xD0000000, s2;
	s6 =	simm.s32 $0x108;
	_ =	swait.ge @!p0 [sflag:s8], $0x0  }
0x24: {  	s3 =	sadd.s32 $0x88, s3;
	s6 =	simm.s32 @!p1 $0x1082;
	[sflag:s4] =	ssyncset.s32 $0xFFFFF086  }
0x25: {  	[simem:s6], [sflag:s4] =	dma.local [hbm:s3], $0xF7A  }
0x26: {  	[smem:$0x3F89] =	sst s1;
	(tag) =	ssettag s2;
	_ =	strace s9  }
0x27: {  	s1 =	sld [smem:$0x3F99]  }
0x28: {  	s2 =	sld [smem:$0x3F9A]  }
0x29: {  	s4 =	sld [smem:$0x3F9C]  }
0x2a: {  	p0 =	seq.s32 s5, $0x0;
	s5 =	sld [smem:$0x3F9D]  }
0x2b: {  	s6 =	sld [smem:$0x3F9E]  }
0x2c: {  	s7 =	sld [smem:$0x3F9F]  }
0x2d: {  	s3 =	simm.s32 $0x108;
	s8 =	sld [smem:$0x3FA0]  }
0x2e: {  	s3 =	simm.s32 @!p0 $0x1082;
	s9 =	sld [smem:$0x3FA1]  }
0x2f: {  	lr =	sadd.s32 s0, s3;
	s0 =	sld [smem:$0x3F98]  }
0x30: {  	s3 =	sld [smem:$0x3F9B]  }
0x31: {  	[smem:$0x3FA4] =	sst s10  }
0x32: {  	s10 =	sld [smem:$0x3FA2];
	_ =	sdelay $0x3  }
0x33: {  	p0 =	seq.s32 s10, $0x1;
	s10 =	sld [smem:$0x3FA4];
	_ =	sdelay $0x3  }
0x34: {  	[smem:$0x3FA4] =	sst s10  }
0x35: {  	s10 =	sld [smem:$0x3FA3];
	_ =	sdelay $0x3  }
0x36: {  	p1 =	seq.s32 s10, $0x1;
	s10 =	sld [smem:$0x3FA4];
	_ =	sdelay $0x3  }
0x37: {  	[smem:$0x3FA4] =	sst s10  }
0x38: {  	s10 =	sld [smem:$0x3FA5]  }
0x39: {  	_ = 	snop;
	(pc) =	sbr.ind lr, $3  }
0x3a: {  	_ = 	snop  }
0x3b: {  	_ = 	snop  }
0x3c: {  	p2 =	seq.s32 s10, $0x1;
	s10 =	sld [smem:$0x3FA4]  }
0x3d: {  	_ =	shalt  }
0x3e: {  	_ =	shalt  }
0x3f: {  	_ =	shalt  }
0x40: {  	_ =	shalt  }
0x41: {  	_ =	shalt  }
0x42: {  	_ =	shalt  }
0x43: {  	_ =	shalt  }
0x44: {  	_ =	shalt  }
0x45: {  	_ =	shalt  }
0x46: {  	_ =	shalt  }
0x47: {  	_ =	shalt  }
0x48: {  	_ =	shalt  }
0x49: {  	_ =	shalt  }
0x4a: {  	_ =	shalt  }
0x4b: {  	_ =	shalt  }
0x4c: {  	_ =	shalt  }
0x4d: {  	_ =	shalt  }
0x4e: {  	_ =	shalt  }
0x4f: {  	_ =	shalt  }
0x50: {  	_ =	shalt  }
0x51: {  	_ =	shalt  }
0x52: {  	_ =	shalt  }
0x53: {  	_ =	shalt  }
0x54: {  	_ =	shalt  }
0x55: {  	_ =	shalt  }
0x56: {  	_ =	shalt  }
0x57: {  	_ =	shalt  }
0x58: {  	_ =	shalt  }
0x59: {  	_ =	shalt  }
0x5a: {  	_ =	shalt  }
0x5b: {  	_ =	shalt  }
0x5c: {  	_ =	shalt  }
0x5d: {  	_ =	shalt  }
0x5e: {  	_ =	shalt  }
0x5f: {  	_ =	shalt  }
0x60: {  	_ =	shalt  }
0x61: {  	_ =	shalt  }
0x62: {  	_ =	shalt  }
0x63: {  	_ =	shalt  }
0x64: {  	_ =	shalt  }
0x65: {  	_ =	shalt  }
0x66: {  	_ =	shalt  }
0x67: {  	_ =	shalt  }
0x68: {  	_ =	shalt  }
0x69: {  	_ =	shalt  }
0x6a: {  	_ =	shalt  }
0x6b: {  	_ =	shalt  }
0x6c: {  	_ =	shalt  }
0x6d: {  	_ =	shalt  }
0x6e: {  	_ =	shalt  }
0x6f: {  	_ =	shalt  }
0x70: {  	_ =	shalt  }
0x71: {  	_ =	shalt  }
0x72: {  	_ =	shalt  }
0x73: {  	_ =	shalt  }
0x74: {  	_ =	shalt  }
0x75: {  	_ =	shalt  }
0x76: {  	_ =	shalt  }
0x77: {  	_ =	shalt  }
0x78: {  	_ =	shalt  }
0x79: {  	_ =	shalt  }
0x7a: {  	_ =	shalt  }
0x7b: {  	_ =	shalt  }
0x7c: {  	_ =	shalt  }
0x7d: {  	_ =	shalt  }
0x7e: {  	_ =	shalt  }
0x7f: {  	_ =	shalt  }
0x80: {  	_ =	shalt  }
0x81: {  	_ =	shalt  }
0x82: {  	_ =	shalt  }
0x83: {  	_ =	shalt  }
0x84: {  	_ =	shalt  }
0x85: {  	_ =	shalt  }
0x86: {  	_ =	shalt  }
0x87: {  	_ =	shalt  }
.Lfunc_end0:
.L_simem_size_0:
called_computation.1_lowered:
.L_overlay_start_0:
0x88: {  	s2 =	sld [smem:$0x3FD9]  }
0x89: {  	s3 =	sld [smem:$0x3FFE];
	_ =	sdelay $0x1  }
0x8a: {  	s1 =	srdreg.scid  }
0x8b: {  	s0 =	sand.u32 $0x1, s1  }
0x8c: {  	s16 =	sshll.u32 s0, $0xA;
	s2 =	sadd.s32 s3, s2  }
0x8d: {  	s2 =	sadd.s32 s2, s16  }
0x8e: {  	[smem:$0x3FB0] =	sst s2  }
0x8f: {  	_ = 	snop  }
0x90: {  	(tm) =	ssettm $0x1  }
0x91: {  	s17 =	sld [smem:$0x3FFB];
	_ =	sdelay $0x3  }
0x92: {  	_ =	strace s17  }
0x93: {  	s2 =	sld [smem:$0x3FFC];
	_ =	sdelay $0x3  }
0x94: {  	_ =	strace s2  }
0x95: {  	s2 =	sld [smem:$0x3FFD];
	_ =	sdelay $0x3  }
0x96: {  	_ =	strace s2  }
0x97: {  	_ =	strace $0x8FFFFFFF  }
0x98: {  	s18 =	sld [smem:$0x3FDB];
	_ =	sdelay $0x1  }
0x99: {  	s19 =	simm.s32 $_scs_section_size  }
0x9a: {  	s4 =	simm.s32 $_size__tile_overlayer_lowered;
	s5 =	simm.s32 $_tile_overlayer_lowered  }
0x9b: {  	s22 =	simm.s32 $0x1BFF;
	s21 =	sshll.u32 s5, $0x1;
	s2 =	sadd.s32 s19, s18  }
0x9c: {  	s6 =	simm.s32 $0x0;
	s20 =	sshll.u32 s4, $0x1;
	s4 =	sadd.s32 s21, s2  }
0x9d: {  	[timem:s6], [sflag:s22] =	dma.local [hbm:s4], s20  }
0x9e: {  	_ =	swait.ge [sflag:s22], s20  }
0x9f: {  	s3 =	ssub.s32 $0x0, s20;
	[sflag:s22] =	ssyncset.done $0x0  }
0xa0: {  	[sflag:s22] =	ssyncadd.s32 s3;
	_ =	sdelay $0x1  }
0xa1: {  	s23 =	simm.s32 $0x1B8B  }
0xa2: {  	_ =	swait.ge [sflag:s23], $0x1  }
0xa3: {  	[sflag:s23] =	ssyncset.done $0x0  }
0xa4: {  	s25 =	simm.s32 $0x1B8E;
	s24 =	sld [smem:$0x3FFE];
	[sflag:s23] =	ssyncadd.s32 $0xFFFFFFFF  }
0xa5: {  	s26 =	simm.s32 $execute0_lowered;
	[smem:$0x3FD2] =	sst s25  }
0xa6: {  	s4 =	sshll.u32 s26, $0x1;
	_ =	strace $0x80000049;
	[dreg:$0x1] =	wrdreg $0xFFFFFFFF  }
0xa7: {  	s28 =	simm.s32 $_size_execute0_lowered;
	s2 =	sadd.s32 s2, s4;
	[dreg:$0x0] =	wrdreg $0x0  }
0xa8: {  	s4 =	sshll.u32 s28, $0x1;
	[dreg:$0x2] =	wrdreg s2  }
0xa9: {  	[dreg:$0x3] =	wrdreg s4  }
0xaa: {  	[dreg:$0x4] =	wrdreg $0xC0  }
0xab: {  	_ =	task [dreg:s6], $0x5FFFF  }
0xac: {  	[dreg:$0x1] =	wrdreg $0xFFFFFFFF  }
0xad: {  	[dreg:$0x0] =	wrdreg $0x60  }
0xae: {  	[dreg:$0x2] =	wrdreg s24  }
0xaf: {  	[dreg:$0x3] =	wrdreg $0x0  }
0xb0: {  	[dreg:$0x4] =	wrdreg $0x9  }
0xb1: {  	_ =	task.clear_ibuf [dreg:s6], $0x5FFFF;
	_ =	strace $0x90000049  }
0xb2: {  	s29 =	simm.s32 $0x9;
	_ =	strace $0x8000004B  }
0xb3: {  	_ =	swait.ge [sflag:s29], $0x1  }
0xb4: {  	[sflag:s29] =	ssyncadd.s32 $0xFFFFFFFF  }
0xb5: {  	_ =	strace $0x9000004B  }
0xb6: {  	_ =	sfence  }
0xb7: {  	s30 =	sld [smem:$0x0];
	_ =	sdelay $0x2  }
0xb8: {  	s31 =	sshll.u32 s1, $0xD;
	s1 =	sshrl.u32 s1, $0x2  }
0xb9: {  	s3 =	sand.u32 $0x4000, s31;
	s1 =	sadd.s32 s1, s30  }
0xba: {  	s0 =	sor.u32 s3, s0;
	s1 =	sshll.u32 s1, $0x11  }
0xbb: {  	s0 =	sor.u32 s1, s0  }
0xbc: {  	s0 =	sadd.s32 $0x8F2B, s0  }
0xbd: {  	[sflag:s0] =	ssyncadd.remote.s32 $0x1  }
0xbe: {  	_ =	sfence.sel $0xFFFF  }
0xbf: {  	[dreg:$0x0] =	wrdreg $0xFFFFFFFF;
	(pc) =	sbr.abs _section_cstart, $3  }
0xc0: {  	[dreg:$0x1] =	wrdreg $0xFFFFFFFF  }
0xc1: {  	_ =	task.clear_ibuf [dreg:s6], $0x2FFFF;
	_ =	strace $0x9FFFFFFF  }
0xc2: {  	(tm) =	ssettm $0x7FFFFFFF  }
0xc3: {  	_ =	shalt  }
tec
execute0_lowered:
.L_overlay_start_1:
0x0: {  	(tag) =	ssettag $0x1  }
0x1: {  	s0 =	rddreg [dreg:$0x0];
	s19 =	stileid.u32  }
0x2: {  	s1 =	srdreg.scid;
	s8 =	smul.u32 $0x500, s19  }
0x3: {  	s2 =	rddreg [dreg:$0x1];
	s4 =	sshrl.u32 s19, $0x2;
	s17 =	smul.u32 $0xA000, s19  }
0x4: {  	s1 =	sand.u32 $0x1, s1;
	s3 =	sshll.u32 s19, $0x1;
	s6 =	smul.u32 $0x13C00, s4  }
0x5: {  	s9 =	sor.u32 $0x10, s19;
	s20 =	sor.u32 $0x20, s19;
	s15 =	smul.u32 $0x27100, s1  }
0x6: {  	s11 =	sor.u32 $0x30, s19;
	s25 =	sor.u32 $0x50, s19;
	s18 =	smul.u32 $0xA000, s9  }
0x7: {  	s5 =	sor.u32 s1, s3;
	s3 =	simm.s32 $0x0;
	s22 =	smul.u32 $0x500, s20  }
0x8: {  	s4 =	sadd.s32 $0x1E200, s0;
	s1 =	ssub.s32 $0x2, s1;
	s10 =	smul.u32 $0xA000, s20  }
0x9: {  	s13 =	smul.u32 $0xA000, s11;
	s14 =	sshll.u32 s5, $0x7;
	[smem:$0x7FF] =	sst s3  }
0xa: {  	s5 =	sshll.u32 s5, $0xB;
	s16 =	sshrl.u32 s1, $0x1;
	s21 =	sadd.s32 s4, s8  }
0xb: {  	s7 =	sand.u32 $0x380, s14;
	_ =	strace $0x8000004A;
	s5 =	sadd.s32 s5, s0  }
0xc: {  	s1 =	ssub.s32 s1, s16;
	[dreg:$0x6] =	wrdreg s21;
	s12 =	sshrl.u32 s10, $0x2  }
0xd: {  	s14 =	sor.u32 $0x40, s19;
	s24 =	sshrl.u32 s13, $0x2;
	s21 =	sadd.s32 s4, s22  }
0xe: {  	s6 =	sor.u32 s6, s7;
	s5 =	sadd.s32 $0x4400, s5;
	s23 =	smul.u32 $0xA000, s14  }
0xf: {  	s1 =	smax.u32 s1, $0x1;
	s7 =	sshrl.u32 s17, $0x2;
	s16 =	smul.u32 $0x500, s14  }
0x10: {  	s17 =	sor.u32 $0x60, s19;
	[dreg:$0x4] =	wrdreg s5;
	s5 =	smul.u32 $0x500, s9  }
0x11: {  	s19 =	sor.u32 $0x70, s19;
	s9 =	sadd.s32 s7, s2;
	s7 =	smul.u32 $0x500, s11  }
0x12: {  	[dreg:$0xa] =	wrdreg s21;
	s6 =	sshrl.u32 s6, $0x3;
	s26 =	smul.u32 $0xA000, s17  }
0x13: {  	[dreg:$0x5] =	wrdreg s1;
	s11 =	sadd.s32 s12, s2;
	s20 =	smul.u32 $0xA000, s19  }
0x14: {  	s12 =	sadd.s32 s24, s2;
	s17 =	smul.u32 $0x500, s17;
	p0 =	sgt.u32 s19, $0x7C  }
0x15: {  	s6 =	sadd.s32 s6, s0;
	s0 =	sadd.s32 s15, s0;
	s24 =	sadd.s32 s4, s16  }
0x16: {  	s15 =	smul.u32 $0xA000, s25;
	s6 =	sadd.s32 $0x14400, s6;
	[dreg:$0xe] =	wrdreg s24  }
0x17: {  	s0 =	sadd.s32 $0x45400, s0;
	s28 =	sadd.s32 s4, s17;
	[dreg:$0x3] =	wrdreg s6  }
0x18: {  	s6 =	sshrl.u32 s18, $0x2;
	s18 =	smul.u32 $0x500, s25;
	s15 =	sshrl.u32 s15, $0x2  }
0x19: {  	s8 =	sadd.s32 s0, s8;
	s1 =	sadd.s32 s0, s22;
	s22 =	sadd.s32 s4, s7  }
0x1a: {  	s25 =	sadd.s32 s0, s16;
	s29 =	sadd.s32 s0, s17;
	[dreg:$0x7] =	wrdreg s8  }
0x1b: {  	s16 =	simm.s32 $0x50;
	s17 =	simm.s32 $0x1C800;
	[dreg:$0xb] =	wrdreg s1  }
0x1c: {  	s10 =	sadd.s32 s6, s2;
	s6 =	sshrl.u32 s23, $0x2;
	[dreg:$0xc] =	wrdreg s22  }
0x1d: {  	s14 =	sadd.s32 s15, s2;
	s23 =	sadd.s32 s0, s7;
	[dreg:$0xf] =	wrdreg s25  }
0x1e: {  	s7 =	simm.s32 $0x4;
	s8 =	simm.s32 $0x3;
	s13 =	sadd.s32 s6, s2  }
0x1f: {  	s6 =	sshrl.u32 s26, $0x2;
	[dreg:$0xd] =	wrdreg s23;
	s26 =	sadd.s32 s4, s18  }
0x20: {  	s15 =	sadd.s32 s6, s2;
	s6 =	smul.u32 $0x500, s19;
	s19 =	sshrl.u32 s20, $0x2  }
0x21: {  	s20 =	sadd.s32 s4, s5;
	s5 =	sadd.s32 s0, s5;
	[dreg:$0x10] =	wrdreg s26  }
0x22: {  	s26 =	sadd.s32 s0, s18;
	s18 =	simm.s32 $0x1;
	[dreg:$0x8] =	wrdreg s20  }
0x23: {  	[dreg:$0x9] =	wrdreg s5;
	s1 =	sadd.s32 s19, s2;
	s5 =	simm.s32 $0x1A000  }
0x24: {  	s19 =	simm.s32 $0x2;
	s20 =	simm.s32 $0x0;
	s30 =	sadd.s32 s0, s6  }
0x25: {  	s31 =	sadd.s32 s4, s6;
	s0 =	simm.s32 $0x13880;
	s6 =	simm.s32 $0x5  }
.LBB2_1:
0x26: {  	s21 =	rddreg [dreg:$0x3];
	s22 =	simm.s32 $0x80;
	s23 =	simm.s32 $0x400  }
0x27: {  	[tilespmem:s0], [sflag:$0x3] =	stream.strided.gather [hbm4b:s21+s22], $0x2780, s23, s22, $0x38;
	[tilespmem:$0x1F000] =	vst v63  }
0x28: {  	s22 =	rddreg [dreg:$0x4];
	s23 =	simm.s32 $0x16000  }
0x29: {  	[tilespmem:s23], [sflag:$0x3] =	stream.linear.gather [hbm4b:s22+s3], $0x3E80, $0x38;
	[tilespmem:$0x1F000] =	vst v63  }
0x2a: {  	s24 =	rddreg [dreg:$0x6]  }
0x2b: {  	[tilespmem:s5], [sflag:$0x5] =	stream.linear.gather [hbm4b:s24+s3], $0x2800, $0x38;
	[tilespmem:$0x1F000] =	vst v63  }
0x2c: {  	_ =	swait.ge [sflag:s6], $0x2800  }
0x2d: {  	[sflag:s6] =	ssyncset.done $0x0  }
0x2e: {  	[sflag:s6] =	ssyncadd.s32 $0xFFFFD800  }
0x2f: {  	[spmem:s9] =	stream.linear.scatter [tilespmem:s5], [sflag:$0x4], $0x2800, $0x38;
	[tilespmem:$0x1F000] =	vst v63  }
0x30: {  	_ =	swait.ge [sflag:s7], $0x2800  }
0x31: {  	[sflag:s7] =	ssyncset.done $0x0  }
0x32: {  	s25 =	rddreg [dreg:$0x8];
	[sflag:s7] =	ssyncadd.s32 $0xFFFFD800  }
0x33: {  	[tilespmem:s5], [sflag:$0x5] =	stream.linear.gather [hbm4b:s25+s3], $0x2800, $0x38;
	[tilespmem:$0x1F000] =	vst v63  }
0x34: {  	_ =	swait.ge [sflag:s6], $0x2800  }
0x35: {  	[sflag:s6] =	ssyncset.done $0x0  }
0x36: {  	[sflag:s6] =	ssyncadd.s32 $0xFFFFD800  }
0x37: {  	[spmem:s10] =	stream.linear.scatter [tilespmem:s5], [sflag:$0x4], $0x2800, $0x38;
	[tilespmem:$0x1F000] =	vst v63  }
0x38: {  	_ =	swait.ge [sflag:s7], $0x2800  }
0x39: {  	[sflag:s7] =	ssyncset.done $0x0  }
0x3a: {  	s22 =	rddreg [dreg:$0xa];
	[sflag:s7] =	ssyncadd.s32 $0xFFFFD800  }
0x3b: {  	[tilespmem:s5], [sflag:$0x5] =	stream.linear.gather [hbm4b:s22+s3], $0x2800, $0x38;
	[tilespmem:$0x1F000] =	vst v63  }
0x3c: {  	_ =	swait.ge [sflag:s6], $0x2800  }
0x3d: {  	[sflag:s6] =	ssyncset.done $0x0  }
0x3e: {  	[sflag:s6] =	ssyncadd.s32 $0xFFFFD800  }
0x3f: {  	[spmem:s11] =	stream.linear.scatter [tilespmem:s5], [sflag:$0x4], $0x2800, $0x38;
	[tilespmem:$0x1F000] =	vst v63  }
0x40: {  	_ =	swait.ge [sflag:s7], $0x2800  }
0x41: {  	[sflag:s7] =	ssyncset.done $0x0  }
0x42: {  	s23 =	rddreg [dreg:$0xc];
	[sflag:s7] =	ssyncadd.s32 $0xFFFFD800  }
0x43: {  	[tilespmem:s5], [sflag:$0x5] =	stream.linear.gather [hbm4b:s23+s3], $0x2800, $0x38;
	[tilespmem:$0x1F000] =	vst v63  }
0x44: {  	_ =	swait.ge [sflag:s6], $0x2800  }
0x45: {  	[sflag:s6] =	ssyncset.done $0x0  }
0x46: {  	[sflag:s6] =	ssyncadd.s32 $0xFFFFD800  }
0x47: {  	[spmem:s12] =	stream.linear.scatter [tilespmem:s5], [sflag:$0x4], $0x2800, $0x38;
	[tilespmem:$0x1F000] =	vst v63  }
0x48: {  	_ =	swait.ge [sflag:s7], $0x2800  }
0x49: {  	[sflag:s7] =	ssyncset.done $0x0  }
0x4a: {  	s24 =	rddreg [dreg:$0xe];
	[sflag:s7] =	ssyncadd.s32 $0xFFFFD800  }
0x4b: {  	[tilespmem:s5], [sflag:$0x5] =	stream.linear.gather [hbm4b:s24+s3], $0x2800, $0x38;
	[tilespmem:$0x1F000] =	vst v63  }
0x4c: {  	_ =	swait.ge [sflag:s6], $0x2800  }
0x4d: {  	[sflag:s6] =	ssyncset.done $0x0  }
0x4e: {  	[sflag:s6] =	ssyncadd.s32 $0xFFFFD800  }
0x4f: {  	[spmem:s13] =	stream.linear.scatter [tilespmem:s5], [sflag:$0x4], $0x2800, $0x38;
	[tilespmem:$0x1F000] =	vst v63  }
0x50: {  	_ =	swait.ge [sflag:s7], $0x2800  }
0x51: {  	[sflag:s7] =	ssyncset.done $0x0  }
0x52: {  	s25 =	rddreg [dreg:$0x10];
	[sflag:s7] =	ssyncadd.s32 $0xFFFFD800  }
0x53: {  	[tilespmem:s5], [sflag:$0x5] =	stream.linear.gather [hbm4b:s25+s3], $0x2800, $0x38;
	[tilespmem:$0x1F000] =	vst v63  }
0x54: {  	_ =	swait.ge [sflag:s6], $0x2800  }
0x55: {  	[sflag:s6] =	ssyncset.done $0x0  }
0x56: {  	[sflag:s6] =	ssyncadd.s32 $0xFFFFD800  }
0x57: {  	[spmem:s14] =	stream.linear.scatter [tilespmem:s5], [sflag:$0x4], $0x2800, $0x38;
	[tilespmem:$0x1F000] =	vst v63  }
0x58: {  	_ =	swait.ge [sflag:s7], $0x2800  }
0x59: {  	[sflag:s7] =	ssyncset.done $0x0  }
0x5a: {  	[sflag:s7] =	ssyncadd.s32 $0xFFFFD800  }
0x5b: {  	[tilespmem:s5], [sflag:$0x5] =	stream.linear.gather [hbm4b:s28+s3], $0x2800, $0x38;
	[tilespmem:$0x1F000] =	vst v63  }
0x5c: {  	_ =	swait.ge [sflag:s6], $0x2800  }
0x5d: {  	[sflag:s6] =	ssyncset.done $0x0  }
0x5e: {  	[sflag:s6] =	ssyncadd.s32 $0xFFFFD800  }
0x5f: {  	[spmem:s15] =	stream.linear.scatter [tilespmem:s5], [sflag:$0x4], $0x2800, $0x38;
	[tilespmem:$0x1F000] =	vst v63  }
0x60: {  	_ =	swait.ge [sflag:s7], $0x2800  }
0x61: {  	[sflag:s7] =	ssyncset.done $0x0  }
0x62: {  	s21 =	simm.s32 @!p0 $0x0;
	s22 =	simm.s32 @!p0 $0x1A000;
	[sflag:s7] =	ssyncadd.s32 $0xFFFFD800  }
0x63: {  	[tilespmem:s22], [sflag:$0x5] =	stream.linear.gather @!p0 [hbm4b:s31+s21], $0x2800, $0x38;
	[tilespmem:$0x1F000] =	vst v63  }
0x64: {  	s21 =	simm.s32 @!p0 $0x5  }
0x65: {  	_ =	swait.ge @!p0 [sflag:s21], $0x2800  }
0x66: {  	[sflag:s21] =	ssyncset.done @!p0 $0x0  }
0x67: {  	[sflag:s21] =	ssyncadd.s32 @!p0 $0xFFFFD800;
	s21 =	simm.s32 @!p0 $0x4  }
0x68: {  	[spmem:s1] =	stream.linear.scatter @!p0 [tilespmem:s22], [sflag:$0x4], $0x2800, $0x38;
	[tilespmem:$0x1F000] =	vst v63  }
0x69: {  	_ =	swait.ge @!p0 [sflag:s21], $0x2800  }
0x6a: {  	[sflag:s21] =	ssyncset.done @!p0 $0x0  }
0x6b: {  	[sflag:s21] =	ssyncadd.s32 @!p0 $0xFFFFD800  }
0x6c: {  	_ =	swait.ge [sflag:s8], $0x2780  }
0x6d: {  	[sflag:s8] =	ssyncset.done $0x0  }
0x6e: {  	[sflag:s8] =	ssyncadd.s32 $0xFFFFD880  }
0x6f: {  	_ =	swait.ge [sflag:s8], $0x3E80  }
0x70: {  	[sflag:s8] =	ssyncset.done $0x0  }
0x71: {  	[sflag:s8] =	ssyncadd.s32 $0xFFFFC180  }
0x72: {  	[bflag:$0x0] =	sbarrier.arrive $0xFFFF  }
0x73: {  	[tilespmem:s5], [sflag:$0x1] =	stream.indirect.gather [hbm4b:s4+s16], $0x80, s0, s16, $0xb8;
	[tilespmem:$0x1F000] =	vst v63  }
0x74: {  	s22 =	simm.s32 $0x138D0  }
0x75: {  	[tilespmem:s17], [sflag:$0x2] =	stream.indirect.gather [hbm4b:s4+s16], $0x80, s22, s16, $0xb8;
	[tilespmem:$0x1F000] =	vst v63  }
0x76: {  	_ =	swait.ge [sflag:s18], $0x2800  }
0x77: {  	[sflag:s18] =	ssyncset.done $0x0  }
0x78: {  	s23 =	simm.s32 $0x16000;
	[sflag:s18] =	ssyncadd.s32 $0xFFFFD800  }
0x79: {  	[spmem:s2] =	stream.indirect.scatter.add.f32 [tilespmem:s5], [sflag:$0x4], $0x80, s23, s16, $0xb8;
	[tilespmem:$0x1F000] =	vst v63  }
0x7a: {  	_ =	swait.ge [sflag:s7], $0x2800  }
0x7b: {  	[sflag:s7] =	ssyncset.done $0x0  }
0x7c: {  	s24 =	simm.s32 $0x13920;
	[sflag:s7] =	ssyncadd.s32 $0xFFFFD800  }
0x7d: {  	[tilespmem:s5], [sflag:$0x1] =	stream.indirect.gather [hbm4b:s4+s16], $0x80, s24, s16, $0xb8;
	[tilespmem:$0x1F000] =	vst v63  }
0x7e: {  	_ =	swait.ge [sflag:s19], $0x2800  }
0x7f: {  	[sflag:s19] =	ssyncset.done $0x0  }
0x80: {  	s25 =	simm.s32 $0x16080;
	[sflag:s19] =	ssyncadd.s32 $0xFFFFD800  }
0x81: {  	[spmem:s2] =	stream.indirect.scatter.add.f32 [tilespmem:s17], [sflag:$0x4], $0x80, s25, s16, $0xb8;
	[tilespmem:$0x1F000] =	vst v63  }
0x82: {  	_ =	swait.ge [sflag:s7], $0x2800  }
0x83: {  	s21 =	simm.s32 $0x13970;
	[sflag:s7] =	ssyncset.done $0x0  }
0x84: {  	s22 =	simm.s32 $0x400;
	s23 =	simm.s32 $0x13A10;
	[sflag:s7] =	ssyncadd.s32 $0xFFFFD800  }
.LBB2_2:
0x85: {  	[tilespmem:s17], [sflag:$0x2] =	stream.indirect.gather [hbm4b:s4+s16], $0x80, s21, s16, $0xb8;
	[tilespmem:$0x1F000] =	vst v63  }
0x86: {  	s24 =	smov.u32 s22;
	s21 =	smov.u32 s23  }
0x87: {  	p1 =	sne.s32 s22, $0xF000;
	s22 =	sadd.s32 $0x400, s22;
	_ =	swait.ge [sflag:s18], $0x2800  }
0x88: {  	s24 =	sshra.s32 s24, $0x2;
	[sflag:s18] =	ssyncset.done $0x0  }
0x89: {  	s25 =	sadd.s32 $0x16000, s24;
	[sflag:s18] =	ssyncadd.s32 $0xFFFFD800  }
0x8a: {  	[spmem:s2] =	stream.indirect.scatter.add.f32 [tilespmem:s5], [sflag:$0x4], $0x80, s25, s16, $0xb8;
	[tilespmem:$0x1F000] =	vst v63  }
0x8b: {  	_ =	swait.ge [sflag:s7], $0x2800  }
0x8c: {  	[sflag:s7] =	ssyncset.done $0x0  }
0x8d: {  	s25 =	sadd.s32 $0xFFFFFFB0, s23;
	[sflag:s7] =	ssyncadd.s32 $0xFFFFD800  }
0x8e: {  	[tilespmem:s5], [sflag:$0x1] =	stream.indirect.gather [hbm4b:s4+s16], $0x80, s25, s16, $0xb8;
	[tilespmem:$0x1F000] =	vst v63  }
0x8f: {  	_ =	swait.ge [sflag:s19], $0x2800  }
0x90: {  	[sflag:s19] =	ssyncset.done $0x0  }
.Ltmp0:
0x91: {  	s24 =	sadd.s32 $0x16080, s24;
	[sflag:s19] =	ssyncadd.s32 $0xFFFFD800;
	(pc) =	sbr.rel @p1 .LBB2_2-.Ltmp0, $4  }
0x92: {  	[spmem:s2] =	stream.indirect.scatter.add.f32 [tilespmem:s17], [sflag:$0x4], $0x80, s24, s16, $0xb8;
	[tilespmem:$0x1F000] =	vst v63  }
0x93: {  	_ =	swait.ge [sflag:s7], $0x2800  }
0x94: {  	[sflag:s7] =	ssyncset.done $0x0  }
0x95: {  	s23 =	sadd.s32 $0xA0, s23;
	[sflag:s7] =	ssyncadd.s32 $0xFFFFD800  }
0x96: {  	[tilespmem:s17], [sflag:$0x2] =	stream.indirect.gather [hbm4b:s4+s16], $0x80, s21, s16, $0xb8;
	[tilespmem:$0x1F000] =	vst v63  }
0x97: {  	_ =	swait.ge [sflag:s18], $0x2800  }
0x98: {  	[sflag:s18] =	ssyncset.done $0x0  }
0x99: {  	s24 =	simm.s32 $0x19D00;
	[sflag:s18] =	ssyncadd.s32 $0xFFFFD800  }
0x9a: {  	[spmem:s2] =	stream.indirect.scatter.add.f32 [tilespmem:s5], [sflag:$0x4], $0x80, s24, s16, $0xb8;
	[tilespmem:$0x1F000] =	vst v63  }
0x9b: {  	_ =	swait.ge [sflag:s7], $0x2800  }
0x9c: {  	[sflag:s7] =	ssyncset.done $0x0  }
0x9d: {  	s25 =	simm.s32 $0x15F40;
	[sflag:s7] =	ssyncadd.s32 $0xFFFFD800  }
0x9e: {  	[tilespmem:s5], [sflag:$0x1] =	stream.indirect.gather [hbm4b:s4+s16], $0x80, s25, s16, $0xb8;
	[tilespmem:$0x1F000] =	vst v63  }
0x9f: {  	_ =	swait.ge [sflag:s19], $0x2800  }
0xa0: {  	[sflag:s19] =	ssyncset.done $0x0  }
0xa1: {  	s22 =	simm.s32 $0x19D80;
	[sflag:s19] =	ssyncadd.s32 $0xFFFFD800  }
0xa2: {  	[spmem:s2] =	stream.indirect.scatter.add.f32 [tilespmem:s17], [sflag:$0x4], $0x80, s22, s16, $0xb8;
	[tilespmem:$0x1F000] =	vst v63  }
0xa3: {  	_ =	swait.ge [sflag:s7], $0x2800  }
0xa4: {  	[sflag:s7] =	ssyncset.done $0x0  }
0xa5: {  	[sflag:s7] =	ssyncadd.s32 $0xFFFFD800  }
0xa6: {  	_ =	swait.ge [sflag:s18], $0x2800  }
0xa7: {  	[sflag:s18] =	ssyncset.done $0x0  }
0xa8: {  	s23 =	simm.s32 $0x19E00;
	[sflag:s18] =	ssyncadd.s32 $0xFFFFD800  }
0xa9: {  	[spmem:s2] =	stream.indirect.scatter.add.f32 [tilespmem:s5], [sflag:$0x4], $0x80, s23, s16, $0xb8;
	[tilespmem:$0x1F000] =	vst v63  }
0xaa: {  	_ =	swait.ge [sflag:s7], $0x2800  }
0xab: {  	[sflag:s7] =	ssyncset.done $0x0  }
0xac: {  	[sflag:s7] =	ssyncadd.s32 $0xFFFFD800  }
0xad: {  	[bflag:$0x0] =	sbarrier.arrive $0xFFFF  }
0xae: {  	[tilespmem:s5], [sflag:$0x5] =	stream.linear.gather [spmem:s9], $0x2800, $0x38;
	[tilespmem:$0x1F000] =	vst v63  }
0xaf: {  	_ =	swait.ge [sflag:s6], $0x2800  }
0xb0: {  	[sflag:s6] =	ssyncset.done $0x0  }
0xb1: {  	s24 =	rddreg [dreg:$0x7];
	[sflag:s6] =	ssyncadd.s32 $0xFFFFD800  }
0xb2: {  	[hbm4b:s24+s3] =	stream.linear.scatter [tilespmem:s5], [sflag:$0x4], $0x2800, $0x38;
	[tilespmem:$0x1F000] =	vst v63  }
0xb3: {  	_ =	swait.ge [sflag:s7], $0x2800  }
0xb4: {  	[sflag:s7] =	ssyncset.done $0x0  }
0xb5: {  	[sflag:s7] =	ssyncadd.s32 $0xFFFFD800  }
0xb6: {  	[tilespmem:s5], [sflag:$0x5] =	stream.linear.gather [spmem:s10], $0x2800, $0x38;
	[tilespmem:$0x1F000] =	vst v63  }
0xb7: {  	_ =	swait.ge [sflag:s6], $0x2800  }
0xb8: {  	[sflag:s6] =	ssyncset.done $0x0  }
0xb9: {  	s25 =	rddreg [dreg:$0x9];
	[sflag:s6] =	ssyncadd.s32 $0xFFFFD800  }
0xba: {  	[hbm4b:s25+s3] =	stream.linear.scatter [tilespmem:s5], [sflag:$0x4], $0x2800, $0x38;
	[tilespmem:$0x1F000] =	vst v63  }
0xbb: {  	_ =	swait.ge [sflag:s7], $0x2800  }
0xbc: {  	[sflag:s7] =	ssyncset.done $0x0  }
0xbd: {  	[sflag:s7] =	ssyncadd.s32 $0xFFFFD800  }
0xbe: {  	[tilespmem:s5], [sflag:$0x5] =	stream.linear.gather [spmem:s11], $0x2800, $0x38;
	[tilespmem:$0x1F000] =	vst v63  }
0xbf: {  	_ =	swait.ge [sflag:s6], $0x2800  }
0xc0: {  	[sflag:s6] =	ssyncset.done $0x0  }
0xc1: {  	s22 =	rddreg [dreg:$0xb];
	[sflag:s6] =	ssyncadd.s32 $0xFFFFD800  }
0xc2: {  	[hbm4b:s22+s3] =	stream.linear.scatter [tilespmem:s5], [sflag:$0x4], $0x2800, $0x38;
	[tilespmem:$0x1F000] =	vst v63  }
0xc3: {  	_ =	swait.ge [sflag:s7], $0x2800  }
0xc4: {  	[sflag:s7] =	ssyncset.done $0x0  }
0xc5: {  	[sflag:s7] =	ssyncadd.s32 $0xFFFFD800  }
0xc6: {  	[tilespmem:s5], [sflag:$0x5] =	stream.linear.gather [spmem:s12], $0x2800, $0x38;
	[tilespmem:$0x1F000] =	vst v63  }
0xc7: {  	_ =	swait.ge [sflag:s6], $0x2800  }
0xc8: {  	[sflag:s6] =	ssyncset.done $0x0  }
0xc9: {  	s23 =	rddreg [dreg:$0xd];
	[sflag:s6] =	ssyncadd.s32 $0xFFFFD800  }
0xca: {  	[hbm4b:s23+s3] =	stream.linear.scatter [tilespmem:s5], [sflag:$0x4], $0x2800, $0x38;
	[tilespmem:$0x1F000] =	vst v63  }
0xcb: {  	_ =	swait.ge [sflag:s7], $0x2800  }
0xcc: {  	[sflag:s7] =	ssyncset.done $0x0  }
0xcd: {  	[sflag:s7] =	ssyncadd.s32 $0xFFFFD800  }
0xce: {  	[tilespmem:s5], [sflag:$0x5] =	stream.linear.gather [spmem:s13], $0x2800, $0x38;
	[tilespmem:$0x1F000] =	vst v63  }
0xcf: {  	_ =	swait.ge [sflag:s6], $0x2800  }
0xd0: {  	[sflag:s6] =	ssyncset.done $0x0  }
0xd1: {  	s24 =	rddreg [dreg:$0xf];
	[sflag:s6] =	ssyncadd.s32 $0xFFFFD800  }
0xd2: {  	[hbm4b:s24+s3] =	stream.linear.scatter [tilespmem:s5], [sflag:$0x4], $0x2800, $0x38;
	[tilespmem:$0x1F000] =	vst v63  }
0xd3: {  	_ =	swait.ge [sflag:s7], $0x2800  }
0xd4: {  	[sflag:s7] =	ssyncset.done $0x0  }
0xd5: {  	[sflag:s7] =	ssyncadd.s32 $0xFFFFD800  }
0xd6: {  	[tilespmem:s5], [sflag:$0x5] =	stream.linear.gather [spmem:s14], $0x2800, $0x38;
	[tilespmem:$0x1F000] =	vst v63  }
0xd7: {  	_ =	swait.ge [sflag:s6], $0x2800  }
0xd8: {  	[sflag:s6] =	ssyncset.done $0x0  }
0xd9: {  	[sflag:s6] =	ssyncadd.s32 $0xFFFFD800  }
0xda: {  	[hbm4b:s26+s3] =	stream.linear.scatter [tilespmem:s5], [sflag:$0x4], $0x2800, $0x38;
	[tilespmem:$0x1F000] =	vst v63  }
0xdb: {  	_ =	swait.ge [sflag:s7], $0x2800  }
0xdc: {  	[sflag:s7] =	ssyncset.done $0x0  }
0xdd: {  	[sflag:s7] =	ssyncadd.s32 $0xFFFFD800  }
0xde: {  	[tilespmem:s5], [sflag:$0x5] =	stream.linear.gather [spmem:s15], $0x2800, $0x38;
	[tilespmem:$0x1F000] =	vst v63  }
0xdf: {  	_ =	swait.ge [sflag:s6], $0x2800  }
0xe0: {  	[sflag:s6] =	ssyncset.done $0x0  }
0xe1: {  	[sflag:s6] =	ssyncadd.s32 $0xFFFFD800  }
0xe2: {  	[hbm4b:s29+s3] =	stream.linear.scatter [tilespmem:s5], [sflag:$0x4], $0x2800, $0x38;
	[tilespmem:$0x1F000] =	vst v63  }
0xe3: {  	_ =	swait.ge [sflag:s7], $0x2800  }
0xe4: {  	[sflag:s7] =	ssyncset.done $0x0  }
0xe5: {  	s21 =	simm.s32 @!p0 $0x1A000;
	s22 =	simm.s32 @!p0 $0x5;
	[sflag:s7] =	ssyncadd.s32 $0xFFFFD800  }
0xe6: {  	[tilespmem:s21], [sflag:$0x5] =	stream.linear.gather @!p0 [spmem:s1], $0x2800, $0x38;
	[tilespmem:$0x1F000] =	vst v63  }
0xe7: {  	_ =	swait.ge @!p0 [sflag:s22], $0x2800  }
0xe8: {  	[sflag:s22] =	ssyncset.done @!p0 $0x0  }
0xe9: {  	[sflag:s22] =	ssyncadd.s32 @!p0 $0xFFFFD800;
	s22 =	simm.s32 @!p0 $0x0  }
0xea: {  	[hbm4b:s30+s22] =	stream.linear.scatter @!p0 [tilespmem:s21], [sflag:$0x4], $0x2800, $0x38;
	[tilespmem:$0x1F000] =	vst v63  }
0xeb: {  	s21 =	simm.s32 @!p0 $0x4  }
0xec: {  	_ =	swait.ge @!p0 [sflag:s21], $0x2800  }
0xed: {  	s20 =	sadd.s32 $0x1, s20;
	s25 =	rddreg [dreg:$0x5]  }
0xee: {  	p1 =	sne.s32 s20, s25  }
.Ltmp1:
0xef: {  	_ = 	snop;
	(pc) =	sbr.rel @p1 .LBB2_1-.Ltmp1, $3  }
0xf0: {  	_ =	sdelay $0x1  }
0xf1: {  	[sflag:s21] =	ssyncset.done @!p0 $0x0  }
0xf2: {  	[sflag:s21] =	ssyncadd.s32 @!p0 $0xFFFFD800  }
0xf3: {  	_ =	sfence.sel $0x180000  }
0xf4: {  	[bflag:$0x0] =	sbarrier.arrive $0xFFFF  }
0xf5: {  	_ =	strace $0x9000004A  }
0xf6: {  	s0 =	stileid.u32;
	[bflag:$0x2] =	sbarrier.arrive $0xFFFF  }
0xf7: {  	p0 =	sne.s32 s0, $0x0;
	s0 =	rddreg [dreg:$0x2]  }
0xf8: {  	s0 =	sadd.s32 @!p0 $0x100000, s0  }
0xf9: {  	[sflag:s0] =	ssyncadd.tile.s32 @!p0 $0x1;
	_ =	shalt  }
.Lfunc_end2:
_tile_overlayer_lowered:
.L_overlay_start_2:
0xfa: {  	(tag) =	ssettag $0x2  }
0xfb: {  	s0 =	rddreg [dreg:$0x0];
	s2 =	stileid.u32  }
0xfc: {  	s1 =	rddreg [dreg:$0x1];
	p0 =	sne.s32 s2, $0x0  }
0xfd: {  	s3 =	rddreg [dreg:$0x2];
	[bflag:$0x3] =	sbarrier.arrive $0xFFFF;
	s2 =	simm.s32 @!p0 $0x1C04  }
0xfe: {  	[timem:s3], [sflag:s2] =	dma.local @!p0 [hbm:s0], s1  }
0xff: {  	s0 =	simm.s32 @!p0 $0x4  }
0x100: {  	_ =	swait.ge @!p0 [sflag:s0], s1  }
0x101: {  	s1 =	ssub.s32 @!p0 $0x0, s1;
	[sflag:s0] =	ssyncset.done @!p0 $0x0  }
0x102: {  	[sflag:s0] =	ssyncadd.s32 @!p0 s1  }
0x103: {  	[bflag:$0x3] =	sbarrier.arrive $0xFFFF  }
0x104: {  	_ =	shalt  }

</sc_bundles>
